<compile_context>
chip_gen: v7x
topology: tpu7x:2x2x1
jax: 0.10.2.dev20260603
libtpu: 0.0.44.dev20260713+nightly
codegen_flags: <defaults>
</compile_context>

<pallas_src>
import functools

import jax
import jax.numpy as jnp
from jax import lax
from jax.experimental import pallas as pl
from jax.experimental.pallas import tpu as pltpu
from jax.experimental.pallas import tpu_sc as plsc

VOCAB = 1_000_000
EMBED_DIM = 32
HIDDEN_DIM = 64
BATCH = 16384

GROUP = 512
N_GROUPS = (VOCAB + GROUP - 1) // GROUP
G_ROWS = N_GROUPS * 128

NUM_CORES = 2
NUM_SUBCORES = 16
NUM_WORKERS = NUM_CORES * NUM_SUBCORES
B_PER_W = BATCH // NUM_WORKERS
LANES = 16
N_VECS = B_PER_W // LANES
CHUNK = 128
N_CHUNKS = B_PER_W // CHUNK

_sc_mesh = plsc.VectorSubcoreMesh(core_axis_name="c", subcore_axis_name="s")



_RB = 65536
_GPB = _RB // GROUP


def _repack_body(inT_ref, out_ref):
    x = inT_ref[...]
    for g in range(_GPB):
        sub = x[:, g * GROUP:(g + 1) * GROUP]
        m = sub.reshape(EMBED_DIM, 4, 128)
        m = m.transpose(1, 0, 2).reshape(128, 128)
        out_ref[g * 128:(g + 1) * 128, :] = m.T


def _repack(embT):
    grid = ((VOCAB + _RB - 1) // _RB,)
    return pl.pallas_call(
        _repack_body,
        grid=grid,
        in_specs=[pl.BlockSpec((EMBED_DIM, _RB), lambda i: (0, i))],
        out_specs=pl.BlockSpec((_GPB * 128, 128), lambda i: (i, 0)),
        out_shape=jax.ShapeDtypeStruct((G_ROWS, 128), jnp.float32),
    )(embT)



@functools.partial(
    pl.kernel,
    mesh=_sc_mesh,
    out_type=(
        jax.ShapeDtypeStruct((BATCH, EMBED_DIM), jnp.float32),
        jax.ShapeDtypeStruct((BATCH, EMBED_DIM), jnp.float32),
    ),
    scratch_types=[
        pltpu.VMEM((B_PER_W,), jnp.int32),
        pltpu.VMEM((B_PER_W,), jnp.int32),
        pltpu.VMEM((B_PER_W,), jnp.int32),
        pltpu.VMEM((B_PER_W,), jnp.int32),
        pltpu.VMEM((B_PER_W, EMBED_DIM), jnp.float32),
        pltpu.VMEM((B_PER_W, EMBED_DIM), jnp.float32),
        pltpu.SemaphoreType.DMA,
    ],
    compiler_params=pltpu.CompilerParams(use_tc_tiling_on_sc=False),
)
def _gather_pairs(from_hbm, to_hbm, g_hbm, out_f, out_t,
                  idx_f, idx_t, q_f, q_t, rows_f, rows_t, sem):
    wid = lax.axis_index("s") * NUM_CORES + lax.axis_index("c")
    base = wid * B_PER_W
    pltpu.sync_copy(from_hbm.at[pl.ds(base, B_PER_W)], idx_f)
    pltpu.sync_copy(to_hbm.at[pl.ds(base, B_PER_W)], idx_t)

    copies = []
    for idx_v, q_v, rows_v in ((idx_f, q_f, rows_f), (idx_t, q_t, rows_t)):
        @pl.loop(0, N_VECS)
        def _(i):
            s = pl.ds(i * LANES, LANES)
            v = idx_v[s]
            q_v[s] = (v >> 9) * 512 + (v & 127) * 4 + ((v >> 7) & 3)

        for c in range(N_CHUNKS):
            s = pl.ds(c * CHUNK, CHUNK)
            copies.append(
                pltpu.async_copy(g_hbm.at[q_v.at[s]], rows_v.at[s], sem))
    for c in copies:
        c.wait()
    pltpu.sync_copy(rows_f, out_f.at[pl.ds(base, B_PER_W)])
    pltpu.sync_copy(rows_t, out_t.at[pl.ds(base, B_PER_W)])



def _mlp_body(f_ref, t_ref, w1a_ref, w1b_ref, b1_ref, w2_ref, b2_ref, out_ref):
    h = jnp.dot(f_ref[...], w1a_ref[...], preferred_element_type=jnp.float32)
    h = h + jnp.dot(t_ref[...], w1b_ref[...], preferred_element_type=jnp.float32)
    h = jnp.maximum(h + b1_ref[...], 0.0)
    logit = jnp.sum(h * w2_ref[...], axis=1, keepdims=True) + b2_ref[...]
    out_ref[...] = jax.nn.sigmoid(logit)


def _mlp(f_rows, t_rows, w1a, w1b, b1, w2, b2, block_m=2048):
    grid = (BATCH // block_m,)
    return pl.pallas_call(
        _mlp_body,
        grid=grid,
        in_specs=[
            pl.BlockSpec((block_m, EMBED_DIM), lambda i: (i, 0)),
            pl.BlockSpec((block_m, EMBED_DIM), lambda i: (i, 0)),
            pl.BlockSpec((EMBED_DIM, HIDDEN_DIM), lambda i: (0, 0)),
            pl.BlockSpec((EMBED_DIM, HIDDEN_DIM), lambda i: (0, 0)),
            pl.BlockSpec((1, HIDDEN_DIM), lambda i: (0, 0)),
            pl.BlockSpec((1, HIDDEN_DIM), lambda i: (0, 0)),
            pl.BlockSpec((1, 1), lambda i: (0, 0)),
        ],
        out_specs=pl.BlockSpec((block_m, 1), lambda i: (i, 0)),
        out_shape=jax.ShapeDtypeStruct((BATCH, 1), jnp.float32),
    )(f_rows, t_rows, w1a, w1b, b1, w2, b2)


def kernel(from_node, to_node, emb, fc1_w, fc1_b, fc2_w, fc2_b):
    g = _repack(emb.T)
    g_rm = jnp.reshape(g, (G_ROWS * 4, EMBED_DIM))
    f_rows, t_rows = _gather_pairs(
        from_node.astype(jnp.int32), to_node.astype(jnp.int32), g_rm)
    w1a = fc1_w[:, :EMBED_DIM].T
    w1b = fc1_w[:, EMBED_DIM:].T
    b1 = fc1_b.reshape(1, HIDDEN_DIM)
    w2 = fc2_w.reshape(1, HIDDEN_DIM)
    b2 = fc2_b.reshape(1, 1)
    return _mlp(f_rows, t_rows, w1a, w1b, b1, w2, b2)

# --- scband reference (transcript-rebuilt; emitter-appended) ---
"""Pipeline reference for scband-edge-prediction-model-69329362092404 (READ-ONLY COPY).

The authoritative reference and input builder live on the scoring server;
editing this copy changes nothing except your own understanding.
"""

import jax, jax.numpy as jnp
import numpy as np

VOCAB = 1000000
EMBED_DIM = 32
HIDDEN_DIM = 64
BATCH = 16384

def setup_inputs(seed: int = 0) -> dict:
    key = jax.random.key(seed)
    k1, k2, k3, k4, k5, k6, k7 = jax.random.split(key, 7)
    from_node = jax.random.randint(k1, (BATCH,), 0, VOCAB, dtype=jnp.int64) if jax.config.jax_enable_x64 else jax.random.randint(k1, (BATCH,), 0, VOCAB, dtype=jnp.int32)
    to_node = jax.random.randint(k2, (BATCH,), 0, VOCAB, dtype=jnp.int64) if jax.config.jax_enable_x64 else jax.random.randint(k2, (BATCH,), 0, VOCAB, dtype=jnp.int32)
    emb = jax.random.normal(k3, (VOCAB, EMBED_DIM), dtype=jnp.float32)
    fan_in1 = EMBED_DIM * 2
    lim1 = 1.0 / np.sqrt(fan_in1)
    fc1_w = jax.random.uniform(k4, (HIDDEN_DIM, fan_in1), dtype=jnp.float32, minval=-lim1, maxval=lim1)
    fc1_b = jax.random.uniform(k5, (HIDDEN_DIM,), dtype=jnp.float32, minval=-lim1, maxval=lim1)
    lim2 = 1.0 / np.sqrt(HIDDEN_DIM)
    fc2_w = jax.random.uniform(k6, (1, HIDDEN_DIM), dtype=jnp.float32, minval=-lim2, maxval=lim2)
    fc2_b = jax.random.uniform(k7, (1,), dtype=jnp.float32, minval=-lim2, maxval=lim2)
    return {"from_node": from_node, "to_node": to_node, "emb": emb, "fc1_w": fc1_w, "fc1_b": fc1_b, "fc2_w": fc2_w, "fc2_b": fc2_b}

def reference(from_node, to_node, emb, fc1_w, fc1_b, fc2_w, fc2_b):
    from_emb = jnp.take(emb, from_node, axis=0)
    to_emb = jnp.take(emb, to_node, axis=0)
    combined = jnp.concatenate([from_emb, to_emb], axis=-1)
    hidden = jax.nn.relu(combined @ fc1_w.T + fc1_b)
    edge_prob = jax.nn.sigmoid(hidden @ fc2_w.T + fc2_b)
    return edge_prob

if __name__ == "__main__":
    import jax
    _d = setup_inputs()
    print(jax.jit(kernel)(*tuple(_d.values())))

</pallas_src>

<mosaic_0001>
#map = affine_map<(d0, d1) -> (0)>
#map1 = affine_map<(d0, d1) -> (0, 0)>
module attributes {stable_mosaic.version = 14 : i64} {
  func.func @_gather_pairs(%arg0: i32, %arg1: i32, %arg2: memref<16384xi32, #tpu.memory_space<hbm>>, %arg3: memref<16384xi32, #tpu.memory_space<hbm>>, %arg4: memref<1000448x32xf32, #tpu.memory_space<hbm>>, %arg5: memref<16384x32xf32, #tpu.memory_space<hbm>>, %arg6: memref<16384x32xf32, #tpu.memory_space<hbm>>, %arg7: memref<512xi32, #tpu.memory_space<vmem>>, %arg8: memref<512xi32, #tpu.memory_space<vmem>>, %arg9: memref<512xi32, #tpu.memory_space<vmem>>, %arg10: memref<512xi32, #tpu.memory_space<vmem>>, %arg11: memref<512x32xf32, #tpu.memory_space<vmem>>, %arg12: memref<512x32xf32, #tpu.memory_space<vmem>>, %arg13: memref<!tpu.dma_semaphore, #tpu.memory_space<semaphore_mem>>) attributes {dimension_semantics = [#tpu.dimension_semantics<core_parallel>, #tpu.dimension_semantics<subcore_parallel>], iteration_bounds = array<i64: 2, 16>, scalar_prefetch = 0 : i64, scratch_operands = 7 : i64, tpu.core_type = #tpu.core_type<sc_vector_subcore>, window_params = [{transform_indices = #map}, {transform_indices = #map}, {transform_indices = #map1}, {transform_indices = #map1}, {transform_indices = #map1}]} {
    %mul3A = arith.constant 2 : i32
    %mul3A_0 = arith.muli %arg1, %mul3A : i32
    %add3A = arith.addi %mul3A_0, %arg0 : i32
    %mul3A_1 = arith.constant 512 : i32
    %mul3A_2 = arith.muli %add3A, %mul3A_1 : i32
    "tpu.region"() ({
      %run_scoped3A = tpu.sem_alloc : memref<!tpu.dma_semaphore, #tpu.memory_space<semaphore_mem>>
      %dma_start3A_138 = tpu.memref_slice %arg2[%mul3A_2] : memref<16384xi32, #tpu.memory_space<hbm>> -> memref<512xi32, #tpu.memory_space<hbm>>
      %dma_start3A_139 = tpu.memref_slice %arg2[%mul3A_2] : memref<16384xi32, #tpu.memory_space<hbm>> -> memref<512xi32, #tpu.memory_space<hbm>>
      tpu.enqueue_dma source(%dma_start3A_139 : memref<512xi32, #tpu.memory_space<hbm>>) target(%arg7 : memref<512xi32, #tpu.memory_space<vmem>>) target_semaphore(%run_scoped3A : memref<!tpu.dma_semaphore, #tpu.memory_space<semaphore_mem>>)
      %dma_wait3A_140 = tpu.memref_slice %arg2[%mul3A_2] : memref<16384xi32, #tpu.memory_space<hbm>> -> memref<512xi32, #tpu.memory_space<hbm>>
      %dma_wait3A_141 = tpu.memref_slice %arg2[%mul3A_2] : memref<16384xi32, #tpu.memory_space<hbm>> -> memref<512xi32, #tpu.memory_space<hbm>>
      tpu.wait_dma2 semaphore(%run_scoped3A : memref<!tpu.dma_semaphore, #tpu.memory_space<semaphore_mem>>) src(%dma_wait3A_141 : memref<512xi32, #tpu.memory_space<hbm>>) dst(%arg7 : memref<512xi32, #tpu.memory_space<vmem>>)
      tpu.yield
    }) : () -> ()
    "tpu.region"() ({
      %run_scoped3A = tpu.sem_alloc : memref<!tpu.dma_semaphore, #tpu.memory_space<semaphore_mem>>
      %dma_start3A_138 = tpu.memref_slice %arg3[%mul3A_2] : memref<16384xi32, #tpu.memory_space<hbm>> -> memref<512xi32, #tpu.memory_space<hbm>>
      %dma_start3A_139 = tpu.memref_slice %arg3[%mul3A_2] : memref<16384xi32, #tpu.memory_space<hbm>> -> memref<512xi32, #tpu.memory_space<hbm>>
      tpu.enqueue_dma source(%dma_start3A_139 : memref<512xi32, #tpu.memory_space<hbm>>) target(%arg8 : memref<512xi32, #tpu.memory_space<vmem>>) target_semaphore(%run_scoped3A : memref<!tpu.dma_semaphore, #tpu.memory_space<semaphore_mem>>)
      %dma_wait3A_140 = tpu.memref_slice %arg3[%mul3A_2] : memref<16384xi32, #tpu.memory_space<hbm>> -> memref<512xi32, #tpu.memory_space<hbm>>
      %dma_wait3A_141 = tpu.memref_slice %arg3[%mul3A_2] : memref<16384xi32, #tpu.memory_space<hbm>> -> memref<512xi32, #tpu.memory_space<hbm>>
      tpu.wait_dma2 semaphore(%run_scoped3A : memref<!tpu.dma_semaphore, #tpu.memory_space<semaphore_mem>>) src(%dma_wait3A_141 : memref<512xi32, #tpu.memory_space<hbm>>) dst(%arg8 : memref<512xi32, #tpu.memory_space<vmem>>)
      tpu.yield
    }) : () -> ()
    %scan3A = arith.constant 0 : i32
    %scan3A_3 = arith.constant 32 : i32
    %scan3A_4 = arith.addi %scan3A, %scan3A_3 : i32
    %scan3A_5 = arith.constant 1 : i32
    scf.for %scan3A_138 = %scan3A to %scan3A_4 step %scan3A_5  : i32 {
      %mul3A_139 = arith.constant 1 : i32
      %mul3A_140 = arith.muli %scan3A_138, %mul3A_139 : i32
      %add3A_141 = arith.constant 0 : i32
      %add3A_142 = arith.addi %add3A_141, %mul3A_140 : i32
      %mul3A_143 = arith.constant 16 : i32
      %mul3A_144 = arith.muli %add3A_142, %mul3A_143 : i32
      %get3A = arith.index_cast %mul3A_144 : i32 to index
      %get3A_145 = tpu.vector_load %arg7[%get3A] {strides = array<i32>} : memref<512xi32, #tpu.memory_space<vmem>>, vector<16xi32>,
      %get3A_146 = vector.shape_cast %get3A_145 : vector<16xi32> to vector<16xi32>
      %shift_right_arithmetic3A = arith.constant 9 : i32
      %shift_right_arithmetic3A_147 = vector.broadcast %shift_right_arithmetic3A : i32 to vector<16xi32>
      %shift_right_arithmetic3A_148 = arith.shrsi %get3A_146, %shift_right_arithmetic3A_147 : vector<16xi32>
      %mul3A_149 = arith.constant 512 : i32
      %mul3A_150 = vector.broadcast %mul3A_149 : i32 to vector<16xi32>
      %mul3A_151 = arith.muli %shift_right_arithmetic3A_148, %mul3A_150 : vector<16xi32>
      %and3A = arith.constant 127 : i32
      %and3A_152 = vector.broadcast %and3A : i32 to vector<16xi32>
      %and3A_153 = arith.andi %get3A_146, %and3A_152 : vector<16xi32>
      %mul3A_154 = arith.constant 4 : i32
      %mul3A_155 = vector.broadcast %mul3A_154 : i32 to vector<16xi32>
      %mul3A_156 = arith.muli %and3A_153, %mul3A_155 : vector<16xi32>
      %add3A_157 = arith.addi %mul3A_151, %mul3A_156 : vector<16xi32>
      %shift_right_arithmetic3A_158 = arith.constant 7 : i32
      %shift_right_arithmetic3A_159 = vector.broadcast %shift_right_arithmetic3A_158 : i32 to vector<16xi32>
      %shift_right_arithmetic3A_160 = arith.shrsi %get3A_146, %shift_right_arithmetic3A_159 : vector<16xi32>
      %and3A_161 = arith.constant 3 : i32
      %and3A_162 = vector.broadcast %and3A_161 : i32 to vector<16xi32>
      %and3A_163 = arith.andi %shift_right_arithmetic3A_160, %and3A_162 : vector<16xi32>
      %add3A_164 = arith.addi %add3A_157, %and3A_163 : vector<16xi32>
      %swap3A = arith.index_cast %mul3A_144 : i32 to index
      %swap3A_165 = tpu.vector_load %arg9[%swap3A] {strides = array<i32>} : memref<512xi32, #tpu.memory_space<vmem>>, vector<16xi32>,
      %swap3A_166 = vector.shape_cast %swap3A_165 : vector<16xi32> to vector<16xi32>
      %swap3A_167 = vector.shape_cast %add3A_164 : vector<16xi32> to vector<16xi32>
      tpu.vector_store %arg9[%swap3A], %swap3A_167 {strides = array<i32>} : memref<512xi32, #tpu.memory_space<vmem>>, vector<16xi32>,
    }
    %scan3A_6 = arith.constant 32 : i32
    %dma_start3A = arith.constant 0 : i32
    %dma_start3A_7 = arith.constant 0 : i32
    %dma_start3A_8 = tpu.memref_slice %arg11[%dma_start3A, %dma_start3A_7] : memref<512x32xf32, #tpu.memory_space<vmem>> -> memref<128x32xf32, #tpu.memory_space<vmem>>
    %dma_start3A_9 = arith.constant 0 : i32
    %dma_start3A_10 = tpu.memref_slice %arg9[%dma_start3A_9] : memref<512xi32, #tpu.memory_space<vmem>> -> memref<128xi32, #tpu.memory_space<vmem>>
    %dma_start3A_11 = arith.constant 0 : i32
    %dma_start3A_12 = arith.constant 0 : i32
    %dma_start3A_13 = tpu.memref_slice %arg4[%dma_start3A_11, %dma_start3A_12] : memref<1000448x32xf32, #tpu.memory_space<hbm>> -> memref<1000448x32xf32, #tpu.memory_space<hbm>>
    tpu.enqueue_indirect_dma source(%dma_start3A_13 : memref<1000448x32xf32, #tpu.memory_space<hbm>>) target(%dma_start3A_8 : memref<128x32xf32, #tpu.memory_space<vmem>>) offsets(%dma_start3A_10 : memref<128xi32, #tpu.memory_space<vmem>>) semaphore(%arg13 : memref<!tpu.dma_semaphore, #tpu.memory_space<semaphore_mem>>)
    %dma_start3A_14 = arith.constant 128 : i32
    %dma_start3A_15 = arith.constant 0 : i32
    %dma_start3A_16 = tpu.memref_slice %arg11[%dma_start3A_14, %dma_start3A_15] : memref<512x32xf32, #tpu.memory_space<vmem>> -> memref<128x32xf32, #tpu.memory_space<vmem>>
    %dma_start3A_17 = arith.constant 128 : i32
    %dma_start3A_18 = tpu.memref_slice %arg9[%dma_start3A_17] : memref<512xi32, #tpu.memory_space<vmem>> -> memref<128xi32, #tpu.memory_space<vmem>>
    %dma_start3A_19 = arith.constant 0 : i32
    %dma_start3A_20 = arith.constant 0 : i32
    %dma_start3A_21 = tpu.memref_slice %arg4[%dma_start3A_19, %dma_start3A_20] : memref<1000448x32xf32, #tpu.memory_space<hbm>> -> memref<1000448x32xf32, #tpu.memory_space<hbm>>
    tpu.enqueue_indirect_dma source(%dma_start3A_21 : memref<1000448x32xf32, #tpu.memory_space<hbm>>) target(%dma_start3A_16 : memref<128x32xf32, #tpu.memory_space<vmem>>) offsets(%dma_start3A_18 : memref<128xi32, #tpu.memory_space<vmem>>) semaphore(%arg13 : memref<!tpu.dma_semaphore, #tpu.memory_space<semaphore_mem>>)
    %dma_start3A_22 = arith.constant 256 : i32
    %dma_start3A_23 = arith.constant 0 : i32
    %dma_start3A_24 = tpu.memref_slice %arg11[%dma_start3A_22, %dma_start3A_23] : memref<512x32xf32, #tpu.memory_space<vmem>> -> memref<128x32xf32, #tpu.memory_space<vmem>>
    %dma_start3A_25 = arith.constant 256 : i32
    %dma_start3A_26 = tpu.memref_slice %arg9[%dma_start3A_25] : memref<512xi32, #tpu.memory_space<vmem>> -> memref<128xi32, #tpu.memory_space<vmem>>
    %dma_start3A_27 = arith.constant 0 : i32
    %dma_start3A_28 = arith.constant 0 : i32
    %dma_start3A_29 = tpu.memref_slice %arg4[%dma_start3A_27, %dma_start3A_28] : memref<1000448x32xf32, #tpu.memory_space<hbm>> -> memref<1000448x32xf32, #tpu.memory_space<hbm>>
    tpu.enqueue_indirect_dma source(%dma_start3A_29 : memref<1000448x32xf32, #tpu.memory_space<hbm>>) target(%dma_start3A_24 : memref<128x32xf32, #tpu.memory_space<vmem>>) offsets(%dma_start3A_26 : memref<128xi32, #tpu.memory_space<vmem>>) semaphore(%arg13 : memref<!tpu.dma_semaphore, #tpu.memory_space<semaphore_mem>>)
    %dma_start3A_30 = arith.constant 384 : i32
    %dma_start3A_31 = arith.constant 0 : i32
    %dma_start3A_32 = tpu.memref_slice %arg11[%dma_start3A_30, %dma_start3A_31] : memref<512x32xf32, #tpu.memory_space<vmem>> -> memref<128x32xf32, #tpu.memory_space<vmem>>
    %dma_start3A_33 = arith.constant 384 : i32
    %dma_start3A_34 = tpu.memref_slice %arg9[%dma_start3A_33] : memref<512xi32, #tpu.memory_space<vmem>> -> memref<128xi32, #tpu.memory_space<vmem>>
    %dma_start3A_35 = arith.constant 0 : i32
    %dma_start3A_36 = arith.constant 0 : i32
    %dma_start3A_37 = tpu.memref_slice %arg4[%dma_start3A_35, %dma_start3A_36] : memref<1000448x32xf32, #tpu.memory_space<hbm>> -> memref<1000448x32xf32, #tpu.memory_space<hbm>>
    tpu.enqueue_indirect_dma source(%dma_start3A_37 : memref<1000448x32xf32, #tpu.memory_space<hbm>>) target(%dma_start3A_32 : memref<128x32xf32, #tpu.memory_space<vmem>>) offsets(%dma_start3A_34 : memref<128xi32, #tpu.memory_space<vmem>>) semaphore(%arg13 : memref<!tpu.dma_semaphore, #tpu.memory_space<semaphore_mem>>)
    %scan3A_38 = arith.constant 0 : i32
    %scan3A_39 = arith.constant 32 : i32
    %scan3A_40 = arith.addi %scan3A_38, %scan3A_39 : i32
    %scan3A_41 = arith.constant 1 : i32
    scf.for %scan3A_138 = %scan3A_38 to %scan3A_40 step %scan3A_41  : i32 {
      %mul3A_139 = arith.constant 1 : i32
      %mul3A_140 = arith.muli %scan3A_138, %mul3A_139 : i32
      %add3A_141 = arith.constant 0 : i32
      %add3A_142 = arith.addi %add3A_141, %mul3A_140 : i32
      %mul3A_143 = arith.constant 16 : i32
      %mul3A_144 = arith.muli %add3A_142, %mul3A_143 : i32
      %get3A = arith.index_cast %mul3A_144 : i32 to index
      %get3A_145 = tpu.vector_load %arg8[%get3A] {strides = array<i32>} : memref<512xi32, #tpu.memory_space<vmem>>, vector<16xi32>,
      %get3A_146 = vector.shape_cast %get3A_145 : vector<16xi32> to vector<16xi32>
      %shift_right_arithmetic3A = arith.constant 9 : i32
      %shift_right_arithmetic3A_147 = vector.broadcast %shift_right_arithmetic3A : i32 to vector<16xi32>
      %shift_right_arithmetic3A_148 = arith.shrsi %get3A_146, %shift_right_arithmetic3A_147 : vector<16xi32>
      %mul3A_149 = arith.constant 512 : i32
      %mul3A_150 = vector.broadcast %mul3A_149 : i32 to vector<16xi32>
      %mul3A_151 = arith.muli %shift_right_arithmetic3A_148, %mul3A_150 : vector<16xi32>
      %and3A = arith.constant 127 : i32
      %and3A_152 = vector.broadcast %and3A : i32 to vector<16xi32>
      %and3A_153 = arith.andi %get3A_146, %and3A_152 : vector<16xi32>
      %mul3A_154 = arith.constant 4 : i32
      %mul3A_155 = vector.broadcast %mul3A_154 : i32 to vector<16xi32>
      %mul3A_156 = arith.muli %and3A_153, %mul3A_155 : vector<16xi32>
      %add3A_157 = arith.addi %mul3A_151, %mul3A_156 : vector<16xi32>
      %shift_right_arithmetic3A_158 = arith.constant 7 : i32
      %shift_right_arithmetic3A_159 = vector.broadcast %shift_right_arithmetic3A_158 : i32 to vector<16xi32>
      %shift_right_arithmetic3A_160 = arith.shrsi %get3A_146, %shift_right_arithmetic3A_159 : vector<16xi32>
      %and3A_161 = arith.constant 3 : i32
      %and3A_162 = vector.broadcast %and3A_161 : i32 to vector<16xi32>
      %and3A_163 = arith.andi %shift_right_arithmetic3A_160, %and3A_162 : vector<16xi32>
      %add3A_164 = arith.addi %add3A_157, %and3A_163 : vector<16xi32>
      %swap3A = arith.index_cast %mul3A_144 : i32 to index
      %swap3A_165 = tpu.vector_load %arg10[%swap3A] {strides = array<i32>} : memref<512xi32, #tpu.memory_space<vmem>>, vector<16xi32>,
      %swap3A_166 = vector.shape_cast %swap3A_165 : vector<16xi32> to vector<16xi32>
      %swap3A_167 = vector.shape_cast %add3A_164 : vector<16xi32> to vector<16xi32>
      tpu.vector_store %arg10[%swap3A], %swap3A_167 {strides = array<i32>} : memref<512xi32, #tpu.memory_space<vmem>>, vector<16xi32>,
    }
    %scan3A_42 = arith.constant 32 : i32
    %dma_start3A_43 = arith.constant 0 : i32
    %dma_start3A_44 = arith.constant 0 : i32
    %dma_start3A_45 = tpu.memref_slice %arg12[%dma_start3A_43, %dma_start3A_44] : memref<512x32xf32, #tpu.memory_space<vmem>> -> memref<128x32xf32, #tpu.memory_space<vmem>>
    %dma_start3A_46 = arith.constant 0 : i32
    %dma_start3A_47 = tpu.memref_slice %arg10[%dma_start3A_46] : memref<512xi32, #tpu.memory_space<vmem>> -> memref<128xi32, #tpu.memory_space<vmem>>
    %dma_start3A_48 = arith.constant 0 : i32
    %dma_start3A_49 = arith.constant 0 : i32
    %dma_start3A_50 = tpu.memref_slice %arg4[%dma_start3A_48, %dma_start3A_49] : memref<1000448x32xf32, #tpu.memory_space<hbm>> -> memref<1000448x32xf32, #tpu.memory_space<hbm>>
    tpu.enqueue_indirect_dma source(%dma_start3A_50 : memref<1000448x32xf32, #tpu.memory_space<hbm>>) target(%dma_start3A_45 : memref<128x32xf32, #tpu.memory_space<vmem>>) offsets(%dma_start3A_47 : memref<128xi32, #tpu.memory_space<vmem>>) semaphore(%arg13 : memref<!tpu.dma_semaphore, #tpu.memory_space<semaphore_mem>>)
    %dma_start3A_51 = arith.constant 128 : i32
    %dma_start3A_52 = arith.constant 0 : i32
    %dma_start3A_53 = tpu.memref_slice %arg12[%dma_start3A_51, %dma_start3A_52] : memref<512x32xf32, #tpu.memory_space<vmem>> -> memref<128x32xf32, #tpu.memory_space<vmem>>
    %dma_start3A_54 = arith.constant 128 : i32
    %dma_start3A_55 = tpu.memref_slice %arg10[%dma_start3A_54] : memref<512xi32, #tpu.memory_space<vmem>> -> memref<128xi32, #tpu.memory_space<vmem>>
    %dma_start3A_56 = arith.constant 0 : i32
    %dma_start3A_57 = arith.constant 0 : i32
    %dma_start3A_58 = tpu.memref_slice %arg4[%dma_start3A_56, %dma_start3A_57] : memref<1000448x32xf32, #tpu.memory_space<hbm>> -> memref<1000448x32xf32, #tpu.memory_space<hbm>>
    tpu.enqueue_indirect_dma source(%dma_start3A_58 : memref<1000448x32xf32, #tpu.memory_space<hbm>>) target(%dma_start3A_53 : memref<128x32xf32, #tpu.memory_space<vmem>>) offsets(%dma_start3A_55 : memref<128xi32, #tpu.memory_space<vmem>>) semaphore(%arg13 : memref<!tpu.dma_semaphore, #tpu.memory_space<semaphore_mem>>)
    %dma_start3A_59 = arith.constant 256 : i32
    %dma_start3A_60 = arith.constant 0 : i32
    %dma_start3A_61 = tpu.memref_slice %arg12[%dma_start3A_59, %dma_start3A_60] : memref<512x32xf32, #tpu.memory_space<vmem>> -> memref<128x32xf32, #tpu.memory_space<vmem>>
    %dma_start3A_62 = arith.constant 256 : i32
    %dma_start3A_63 = tpu.memref_slice %arg10[%dma_start3A_62] : memref<512xi32, #tpu.memory_space<vmem>> -> memref<128xi32, #tpu.memory_space<vmem>>
    %dma_start3A_64 = arith.constant 0 : i32
    %dma_start3A_65 = arith.constant 0 : i32
    %dma_start3A_66 = tpu.memref_slice %arg4[%dma_start3A_64, %dma_start3A_65] : memref<1000448x32xf32, #tpu.memory_space<hbm>> -> memref<1000448x32xf32, #tpu.memory_space<hbm>>
    tpu.enqueue_indirect_dma source(%dma_start3A_66 : memref<1000448x32xf32, #tpu.memory_space<hbm>>) target(%dma_start3A_61 : memref<128x32xf32, #tpu.memory_space<vmem>>) offsets(%dma_start3A_63 : memref<128xi32, #tpu.memory_space<vmem>>) semaphore(%arg13 : memref<!tpu.dma_semaphore, #tpu.memory_space<semaphore_mem>>)
    %dma_start3A_67 = arith.constant 384 : i32
    %dma_start3A_68 = arith.constant 0 : i32
    %dma_start3A_69 = tpu.memref_slice %arg12[%dma_start3A_67, %dma_start3A_68] : memref<512x32xf32, #tpu.memory_space<vmem>> -> memref<128x32xf32, #tpu.memory_space<vmem>>
    %dma_start3A_70 = arith.constant 384 : i32
    %dma_start3A_71 = tpu.memref_slice %arg10[%dma_start3A_70] : memref<512xi32, #tpu.memory_space<vmem>> -> memref<128xi32, #tpu.memory_space<vmem>>
    %dma_start3A_72 = arith.constant 0 : i32
    %dma_start3A_73 = arith.constant 0 : i32
    %dma_start3A_74 = tpu.memref_slice %arg4[%dma_start3A_72, %dma_start3A_73] : memref<1000448x32xf32, #tpu.memory_space<hbm>> -> memref<1000448x32xf32, #tpu.memory_space<hbm>>
    tpu.enqueue_indirect_dma source(%dma_start3A_74 : memref<1000448x32xf32, #tpu.memory_space<hbm>>) target(%dma_start3A_69 : memref<128x32xf32, #tpu.memory_space<vmem>>) offsets(%dma_start3A_71 : memref<128xi32, #tpu.memory_space<vmem>>) semaphore(%arg13 : memref<!tpu.dma_semaphore, #tpu.memory_space<semaphore_mem>>)
    %dma_wait3A = arith.constant 0 : i32
    %dma_wait3A_75 = arith.constant 0 : i32
    %dma_wait3A_76 = tpu.memref_slice %arg11[%dma_wait3A, %dma_wait3A_75] : memref<512x32xf32, #tpu.memory_space<vmem>> -> memref<128x32xf32, #tpu.memory_space<vmem>>
    %dma_wait3A_77 = arith.constant 0 : i32
    %dma_wait3A_78 = tpu.memref_slice %arg9[%dma_wait3A_77] : memref<512xi32, #tpu.memory_space<vmem>> -> memref<128xi32, #tpu.memory_space<vmem>>
    %dma_wait3A_79 = arith.constant 0 : i32
    %dma_wait3A_80 = arith.constant 0 : i32
    %dma_wait3A_81 = tpu.memref_slice %arg4[%dma_wait3A_79, %dma_wait3A_80] : memref<1000448x32xf32, #tpu.memory_space<hbm>> -> memref<1000448x32xf32, #tpu.memory_space<hbm>>
    tpu.wait_indirect_dma semaphore(%arg13 : memref<!tpu.dma_semaphore, #tpu.memory_space<semaphore_mem>>) src(%dma_wait3A_81 : memref<1000448x32xf32, #tpu.memory_space<hbm>>) dst(%dma_wait3A_76 : memref<128x32xf32, #tpu.memory_space<vmem>>)
    %dma_wait3A_82 = arith.constant 128 : i32
    %dma_wait3A_83 = arith.constant 0 : i32
    %dma_wait3A_84 = tpu.memref_slice %arg11[%dma_wait3A_82, %dma_wait3A_83] : memref<512x32xf32, #tpu.memory_space<vmem>> -> memref<128x32xf32, #tpu.memory_space<vmem>>
    %dma_wait3A_85 = arith.constant 128 : i32
    %dma_wait3A_86 = tpu.memref_slice %arg9[%dma_wait3A_85] : memref<512xi32, #tpu.memory_space<vmem>> -> memref<128xi32, #tpu.memory_space<vmem>>
    %dma_wait3A_87 = arith.constant 0 : i32
    %dma_wait3A_88 = arith.constant 0 : i32
    %dma_wait3A_89 = tpu.memref_slice %arg4[%dma_wait3A_87, %dma_wait3A_88] : memref<1000448x32xf32, #tpu.memory_space<hbm>> -> memref<1000448x32xf32, #tpu.memory_space<hbm>>
    tpu.wait_indirect_dma semaphore(%arg13 : memref<!tpu.dma_semaphore, #tpu.memory_space<semaphore_mem>>) src(%dma_wait3A_89 : memref<1000448x32xf32, #tpu.memory_space<hbm>>) dst(%dma_wait3A_84 : memref<128x32xf32, #tpu.memory_space<vmem>>)
    %dma_wait3A_90 = arith.constant 256 : i32
    %dma_wait3A_91 = arith.constant 0 : i32
    %dma_wait3A_92 = tpu.memref_slice %arg11[%dma_wait3A_90, %dma_wait3A_91] : memref<512x32xf32, #tpu.memory_space<vmem>> -> memref<128x32xf32, #tpu.memory_space<vmem>>
    %dma_wait3A_93 = arith.constant 256 : i32
    %dma_wait3A_94 = tpu.memref_slice %arg9[%dma_wait3A_93] : memref<512xi32, #tpu.memory_space<vmem>> -> memref<128xi32, #tpu.memory_space<vmem>>
    %dma_wait3A_95 = arith.constant 0 : i32
    %dma_wait3A_96 = arith.constant 0 : i32
    %dma_wait3A_97 = tpu.memref_slice %arg4[%dma_wait3A_95, %dma_wait3A_96] : memref<1000448x32xf32, #tpu.memory_space<hbm>> -> memref<1000448x32xf32, #tpu.memory_space<hbm>>
    tpu.wait_indirect_dma semaphore(%arg13 : memref<!tpu.dma_semaphore, #tpu.memory_space<semaphore_mem>>) src(%dma_wait3A_97 : memref<1000448x32xf32, #tpu.memory_space<hbm>>) dst(%dma_wait3A_92 : memref<128x32xf32, #tpu.memory_space<vmem>>)
    %dma_wait3A_98 = arith.constant 384 : i32
    %dma_wait3A_99 = arith.constant 0 : i32
    %dma_wait3A_100 = tpu.memref_slice %arg11[%dma_wait3A_98, %dma_wait3A_99] : memref<512x32xf32, #tpu.memory_space<vmem>> -> memref<128x32xf32, #tpu.memory_space<vmem>>
    %dma_wait3A_101 = arith.constant 384 : i32
    %dma_wait3A_102 = tpu.memref_slice %arg9[%dma_wait3A_101] : memref<512xi32, #tpu.memory_space<vmem>> -> memref<128xi32, #tpu.memory_space<vmem>>
    %dma_wait3A_103 = arith.constant 0 : i32
    %dma_wait3A_104 = arith.constant 0 : i32
    %dma_wait3A_105 = tpu.memref_slice %arg4[%dma_wait3A_103, %dma_wait3A_104] : memref<1000448x32xf32, #tpu.memory_space<hbm>> -> memref<1000448x32xf32, #tpu.memory_space<hbm>>
    tpu.wait_indirect_dma semaphore(%arg13 : memref<!tpu.dma_semaphore, #tpu.memory_space<semaphore_mem>>) src(%dma_wait3A_105 : memref<1000448x32xf32, #tpu.memory_space<hbm>>) dst(%dma_wait3A_100 : memref<128x32xf32, #tpu.memory_space<vmem>>)
    %dma_wait3A_106 = arith.constant 0 : i32
    %dma_wait3A_107 = arith.constant 0 : i32
    %dma_wait3A_108 = tpu.memref_slice %arg12[%dma_wait3A_106, %dma_wait3A_107] : memref<512x32xf32, #tpu.memory_space<vmem>> -> memref<128x32xf32, #tpu.memory_space<vmem>>
    %dma_wait3A_109 = arith.constant 0 : i32
    %dma_wait3A_110 = tpu.memref_slice %arg10[%dma_wait3A_109] : memref<512xi32, #tpu.memory_space<vmem>> -> memref<128xi32, #tpu.memory_space<vmem>>
    %dma_wait3A_111 = arith.constant 0 : i32
    %dma_wait3A_112 = arith.constant 0 : i32
    %dma_wait3A_113 = tpu.memref_slice %arg4[%dma_wait3A_111, %dma_wait3A_112] : memref<1000448x32xf32, #tpu.memory_space<hbm>> -> memref<1000448x32xf32, #tpu.memory_space<hbm>>
    tpu.wait_indirect_dma semaphore(%arg13 : memref<!tpu.dma_semaphore, #tpu.memory_space<semaphore_mem>>) src(%dma_wait3A_113 : memref<1000448x32xf32, #tpu.memory_space<hbm>>) dst(%dma_wait3A_108 : memref<128x32xf32, #tpu.memory_space<vmem>>)
    %dma_wait3A_114 = arith.constant 128 : i32
    %dma_wait3A_115 = arith.constant 0 : i32
    %dma_wait3A_116 = tpu.memref_slice %arg12[%dma_wait3A_114, %dma_wait3A_115] : memref<512x32xf32, #tpu.memory_space<vmem>> -> memref<128x32xf32, #tpu.memory_space<vmem>>
    %dma_wait3A_117 = arith.constant 128 : i32
    %dma_wait3A_118 = tpu.memref_slice %arg10[%dma_wait3A_117] : memref<512xi32, #tpu.memory_space<vmem>> -> memref<128xi32, #tpu.memory_space<vmem>>
    %dma_wait3A_119 = arith.constant 0 : i32
    %dma_wait3A_120 = arith.constant 0 : i32
    %dma_wait3A_121 = tpu.memref_slice %arg4[%dma_wait3A_119, %dma_wait3A_120] : memref<1000448x32xf32, #tpu.memory_space<hbm>> -> memref<1000448x32xf32, #tpu.memory_space<hbm>>
    tpu.wait_indirect_dma semaphore(%arg13 : memref<!tpu.dma_semaphore, #tpu.memory_space<semaphore_mem>>) src(%dma_wait3A_121 : memref<1000448x32xf32, #tpu.memory_space<hbm>>) dst(%dma_wait3A_116 : memref<128x32xf32, #tpu.memory_space<vmem>>)
    %dma_wait3A_122 = arith.constant 256 : i32
    %dma_wait3A_123 = arith.constant 0 : i32
    %dma_wait3A_124 = tpu.memref_slice %arg12[%dma_wait3A_122, %dma_wait3A_123] : memref<512x32xf32, #tpu.memory_space<vmem>> -> memref<128x32xf32, #tpu.memory_space<vmem>>
    %dma_wait3A_125 = arith.constant 256 : i32
    %dma_wait3A_126 = tpu.memref_slice %arg10[%dma_wait3A_125] : memref<512xi32, #tpu.memory_space<vmem>> -> memref<128xi32, #tpu.memory_space<vmem>>
    %dma_wait3A_127 = arith.constant 0 : i32
    %dma_wait3A_128 = arith.constant 0 : i32
    %dma_wait3A_129 = tpu.memref_slice %arg4[%dma_wait3A_127, %dma_wait3A_128] : memref<1000448x32xf32, #tpu.memory_space<hbm>> -> memref<1000448x32xf32, #tpu.memory_space<hbm>>
    tpu.wait_indirect_dma semaphore(%arg13 : memref<!tpu.dma_semaphore, #tpu.memory_space<semaphore_mem>>) src(%dma_wait3A_129 : memref<1000448x32xf32, #tpu.memory_space<hbm>>) dst(%dma_wait3A_124 : memref<128x32xf32, #tpu.memory_space<vmem>>)
    %dma_wait3A_130 = arith.constant 384 : i32
    %dma_wait3A_131 = arith.constant 0 : i32
    %dma_wait3A_132 = tpu.memref_slice %arg12[%dma_wait3A_130, %dma_wait3A_131] : memref<512x32xf32, #tpu.memory_space<vmem>> -> memref<128x32xf32, #tpu.memory_space<vmem>>
    %dma_wait3A_133 = arith.constant 384 : i32
    %dma_wait3A_134 = tpu.memref_slice %arg10[%dma_wait3A_133] : memref<512xi32, #tpu.memory_space<vmem>> -> memref<128xi32, #tpu.memory_space<vmem>>
    %dma_wait3A_135 = arith.constant 0 : i32
    %dma_wait3A_136 = arith.constant 0 : i32
    %dma_wait3A_137 = tpu.memref_slice %arg4[%dma_wait3A_135, %dma_wait3A_136] : memref<1000448x32xf32, #tpu.memory_space<hbm>> -> memref<1000448x32xf32, #tpu.memory_space<hbm>>
    tpu.wait_indirect_dma semaphore(%arg13 : memref<!tpu.dma_semaphore, #tpu.memory_space<semaphore_mem>>) src(%dma_wait3A_137 : memref<1000448x32xf32, #tpu.memory_space<hbm>>) dst(%dma_wait3A_132 : memref<128x32xf32, #tpu.memory_space<vmem>>)
    "tpu.region"() ({
      %run_scoped3A = tpu.sem_alloc : memref<!tpu.dma_semaphore, #tpu.memory_space<semaphore_mem>>
      %dma_start3A_138 = arith.constant 0 : i32
      %dma_start3A_139 = tpu.memref_slice %arg5[%mul3A_2, %dma_start3A_138] : memref<16384x32xf32, #tpu.memory_space<hbm>> -> memref<512x32xf32, #tpu.memory_space<hbm>>
      %dma_start3A_140 = arith.constant 0 : i32
      %dma_start3A_141 = tpu.memref_slice %arg5[%mul3A_2, %dma_start3A_140] : memref<16384x32xf32, #tpu.memory_space<hbm>> -> memref<512x32xf32, #tpu.memory_space<hbm>>
      tpu.enqueue_dma source(%arg11 : memref<512x32xf32, #tpu.memory_space<vmem>>) target(%dma_start3A_141 : memref<512x32xf32, #tpu.memory_space<hbm>>) target_semaphore(%run_scoped3A : memref<!tpu.dma_semaphore, #tpu.memory_space<semaphore_mem>>)
      %dma_wait3A_142 = arith.constant 0 : i32
      %dma_wait3A_143 = tpu.memref_slice %arg5[%mul3A_2, %dma_wait3A_142] : memref<16384x32xf32, #tpu.memory_space<hbm>> -> memref<512x32xf32, #tpu.memory_space<hbm>>
      %dma_wait3A_144 = arith.constant 0 : i32
      %dma_wait3A_145 = tpu.memref_slice %arg5[%mul3A_2, %dma_wait3A_144] : memref<16384x32xf32, #tpu.memory_space<hbm>> -> memref<512x32xf32, #tpu.memory_space<hbm>>
      tpu.wait_dma2 semaphore(%run_scoped3A : memref<!tpu.dma_semaphore, #tpu.memory_space<semaphore_mem>>) src(%arg11 : memref<512x32xf32, #tpu.memory_space<vmem>>) dst(%dma_wait3A_145 : memref<512x32xf32, #tpu.memory_space<hbm>>)
      tpu.yield
    }) : () -> ()
    "tpu.region"() ({
      %run_scoped3A = tpu.sem_alloc : memref<!tpu.dma_semaphore, #tpu.memory_space<semaphore_mem>>
      %dma_start3A_138 = arith.constant 0 : i32
      %dma_start3A_139 = tpu.memref_slice %arg6[%mul3A_2, %dma_start3A_138] : memref<16384x32xf32, #tpu.memory_space<hbm>> -> memref<512x32xf32, #tpu.memory_space<hbm>>
      %dma_start3A_140 = arith.constant 0 : i32
      %dma_start3A_141 = tpu.memref_slice %arg6[%mul3A_2, %dma_start3A_140] : memref<16384x32xf32, #tpu.memory_space<hbm>> -> memref<512x32xf32, #tpu.memory_space<hbm>>
      tpu.enqueue_dma source(%arg12 : memref<512x32xf32, #tpu.memory_space<vmem>>) target(%dma_start3A_141 : memref<512x32xf32, #tpu.memory_space<hbm>>) target_semaphore(%run_scoped3A : memref<!tpu.dma_semaphore, #tpu.memory_space<semaphore_mem>>)
      %dma_wait3A_142 = arith.constant 0 : i32
      %dma_wait3A_143 = tpu.memref_slice %arg6[%mul3A_2, %dma_wait3A_142] : memref<16384x32xf32, #tpu.memory_space<hbm>> -> memref<512x32xf32, #tpu.memory_space<hbm>>
      %dma_wait3A_144 = arith.constant 0 : i32
      %dma_wait3A_145 = tpu.memref_slice %arg6[%mul3A_2, %dma_wait3A_144] : memref<16384x32xf32, #tpu.memory_space<hbm>> -> memref<512x32xf32, #tpu.memory_space<hbm>>
      tpu.wait_dma2 semaphore(%run_scoped3A : memref<!tpu.dma_semaphore, #tpu.memory_space<semaphore_mem>>) src(%arg12 : memref<512x32xf32, #tpu.memory_space<vmem>>) dst(%dma_wait3A_145 : memref<512x32xf32, #tpu.memory_space<hbm>>)
      tpu.yield
    }) : () -> ()
    return
  }
}

module attributes {stable_mosaic.version = 14 : i64} {
  func.func @_mlp_body(%arg0: i32, %arg1: memref<2048x32xf32, #tpu.memory_space<vmem>>, %arg2: memref<2048x32xf32, #tpu.memory_space<vmem>>, %arg3: memref<32x64xf32, #tpu.memory_space<vmem>>, %arg4: memref<32x64xf32, #tpu.memory_space<vmem>>, %arg5: memref<1x64xf32, #tpu.memory_space<vmem>>, %arg6: memref<1x64xf32, #tpu.memory_space<vmem>>, %arg7: memref<1x1xf32, #tpu.memory_space<vmem>>, %arg8: memref<2048x1xf32, #tpu.memory_space<vmem>>) attributes {dimension_semantics = [#tpu.dimension_semantics<arbitrary>], iteration_bounds = array<i64: 8>, scalar_prefetch = 0 : i64, scratch_operands = 0 : i64, tpu.core_type = #tpu.core_type<tc>, window_params = [{transform_indices = @transform_0, window_bounds = array<i64: 2048, 32>}, {transform_indices = @transform_1, window_bounds = array<i64: 2048, 32>}, {pipeline_mode = #tpu.pipeline_mode<synchronous>, transform_indices = @transform_2, window_bounds = array<i64: 32, 64>}, {pipeline_mode = #tpu.pipeline_mode<synchronous>, transform_indices = @transform_3, window_bounds = array<i64: 32, 64>}, {pipeline_mode = #tpu.pipeline_mode<synchronous>, transform_indices = @transform_4, window_bounds = array<i64: 1, 64>}, {pipeline_mode = #tpu.pipeline_mode<synchronous>, transform_indices = @transform_5, window_bounds = array<i64: 1, 64>}, {pipeline_mode = #tpu.pipeline_mode<synchronous>, transform_indices = @transform_6, window_bounds = array<i64: 1, 1>}, {transform_indices = @transform_7, window_bounds = array<i64: 2048, 1>}]} {
    %get3A = arith.constant 0 : index
    %get3A_0 = arith.constant 0 : index
    %get3A_1 = vector.load %arg1[%get3A, %get3A_0] : memref<2048x32xf32, #tpu.memory_space<vmem>>, vector<2048x32xf32>
    %get3A_2 = arith.constant 0 : index
    %get3A_3 = arith.constant 0 : index
    %get3A_4 = vector.load %arg3[%get3A_2, %get3A_3] : memref<32x64xf32, #tpu.memory_space<vmem>>, vector<32x64xf32>
    %dot_general3A = arith.constant dense<0.000000e+00> : vector<2048x64xf32>
    %dot_general3A_5 = tpu.matmul %get3A_1, %get3A_4, %dot_general3A {dimension_numbers = #tpu.dot_dimension_numbers<[1], [0], [0], [1], [0, 0, 1, 1], [], []>, transpose_lhs_hint = false} : vector<2048x32xf32>, vector<32x64xf32>, vector<2048x64xf32> -> vector<2048x64xf32>
    %get3A_6 = arith.constant 0 : index
    %get3A_7 = arith.constant 0 : index
    %get3A_8 = vector.load %arg2[%get3A_6, %get3A_7] : memref<2048x32xf32, #tpu.memory_space<vmem>>, vector<2048x32xf32>
    %get3A_9 = arith.constant 0 : index
    %get3A_10 = arith.constant 0 : index
    %get3A_11 = vector.load %arg4[%get3A_9, %get3A_10] : memref<32x64xf32, #tpu.memory_space<vmem>>, vector<32x64xf32>
    %dot_general3A_12 = arith.constant dense<0.000000e+00> : vector<2048x64xf32>
    %dot_general3A_13 = tpu.matmul %get3A_8, %get3A_11, %dot_general3A_12 {dimension_numbers = #tpu.dot_dimension_numbers<[1], [0], [0], [1], [0, 0, 1, 1], [], []>, transpose_lhs_hint = false} : vector<2048x32xf32>, vector<32x64xf32>, vector<2048x64xf32> -> vector<2048x64xf32>
    %add3A = arith.addf %dot_general3A_5, %dot_general3A_13 : vector<2048x64xf32>
    %get3A_14 = arith.constant 0 : index
    %get3A_15 = arith.constant 0 : index
    %get3A_16 = vector.load %arg5[%get3A_14, %get3A_15] : memref<1x64xf32, #tpu.memory_space<vmem>>, vector<1x64xf32>
    %add3A_17 = vector.broadcast %get3A_16 : vector<1x64xf32> to vector<2048x64xf32>
    %add3A_18 = arith.addf %add3A, %add3A_17 : vector<2048x64xf32>
    %max3A = arith.constant 0.000000e+00 : f32
    %max3A_19 = vector.broadcast %max3A : f32 to vector<2048x64xf32>
    %max3A_20 = arith.maximumf %add3A_18, %max3A_19 : vector<2048x64xf32>
    %get3A_21 = arith.constant 0 : index
    %get3A_22 = arith.constant 0 : index
    %get3A_23 = vector.load %arg6[%get3A_21, %get3A_22] : memref<1x64xf32, #tpu.memory_space<vmem>>, vector<1x64xf32>
    %mul3A = vector.broadcast %get3A_23 : vector<1x64xf32> to vector<2048x64xf32>
    %mul3A_24 = arith.mulf %max3A_20, %mul3A : vector<2048x64xf32>
    %reduce_sum3A = arith.constant dense<0.000000e+00> : vector<2048xf32>
    %reduce_sum3A_25 = vector.multi_reduction <add>, %mul3A_24, %reduce_sum3A [1] : vector<2048x64xf32> to vector<2048xf32>
    %broadcast_in_dim3A = vector.shape_cast %reduce_sum3A_25 : vector<2048xf32> to vector<2048x1xf32>
    %get3A_26 = arith.constant 0 : index
    %get3A_27 = arith.constant 0 : index
    %get3A_28 = vector.load %arg7[%get3A_26, %get3A_27] : memref<1x1xf32, #tpu.memory_space<vmem>>, vector<1x1xf32>
    %add3A_29 = vector.broadcast %get3A_28 : vector<1x1xf32> to vector<2048x1xf32>
    %add3A_30 = arith.addf %broadcast_in_dim3A, %add3A_29 : vector<2048x1xf32>
    %logistic3A = arith.negf %add3A_30 : vector<2048x1xf32>
    %logistic3A_31 = math.exp %logistic3A : vector<2048x1xf32>
    %logistic3A_32 = arith.constant 1.000000e+00 : f32
    %logistic3A_33 = vector.broadcast %logistic3A_32 : f32 to vector<2048x1xf32>
    %logistic3A_34 = arith.addf %logistic3A_33, %logistic3A_31 : vector<2048x1xf32>
    %logistic3A_35 = arith.divf %logistic3A_33, %logistic3A_34 : vector<2048x1xf32>
    %swap3A = arith.constant 0 : index
    %swap3A_36 = arith.constant 0 : index
    %swap3A_37 = vector.load %arg8[%swap3A, %swap3A_36] : memref<2048x1xf32, #tpu.memory_space<vmem>>, vector<2048x1xf32>
    tpu.vector_store %arg8[%swap3A, %swap3A_36], %logistic3A_35 {strides = array<i32>} : memref<2048x1xf32, #tpu.memory_space<vmem>>, vector<2048x1xf32>,
    return
  }
  func.func @transform_0(%arg0: i32) -> (i32, i32) {
    %c0_i32 = arith.constant 0 : i32
    %c0_i32_0 = arith.constant 0 : i32
    return %arg0, %c0_i32 : i32, i32
  }
  func.func @transform_1(%arg0: i32) -> (i32, i32) {
    %c0_i32 = arith.constant 0 : i32
    %c0_i32_0 = arith.constant 0 : i32
    return %arg0, %c0_i32 : i32, i32
  }
  func.func @transform_2(%arg0: i32) -> (i32, i32) {
    %c0_i32 = arith.constant 0 : i32
    %c0_i32_0 = arith.constant 0 : i32
    %c0_i32_1 = arith.constant 0 : i32
    return %c0_i32, %c0_i32_0 : i32, i32
  }
  func.func @transform_3(%arg0: i32) -> (i32, i32) {
    %c0_i32 = arith.constant 0 : i32
    %c0_i32_0 = arith.constant 0 : i32
    %c0_i32_1 = arith.constant 0 : i32
    return %c0_i32, %c0_i32_0 : i32, i32
  }
  func.func @transform_4(%arg0: i32) -> (i32, i32) {
    %c0_i32 = arith.constant 0 : i32
    %c0_i32_0 = arith.constant 0 : i32
    %c0_i32_1 = arith.constant 0 : i32
    return %c0_i32, %c0_i32_0 : i32, i32
  }
  func.func @transform_5(%arg0: i32) -> (i32, i32) {
    %c0_i32 = arith.constant 0 : i32
    %c0_i32_0 = arith.constant 0 : i32
    %c0_i32_1 = arith.constant 0 : i32
    return %c0_i32, %c0_i32_0 : i32, i32
  }
  func.func @transform_6(%arg0: i32) -> (i32, i32) {
    %c0_i32 = arith.constant 0 : i32
    %c0_i32_0 = arith.constant 0 : i32
    %c0_i32_1 = arith.constant 0 : i32
    return %c0_i32, %c0_i32_0 : i32, i32
  }
  func.func @transform_7(%arg0: i32) -> (i32, i32) {
    %c0_i32 = arith.constant 0 : i32
    %c0_i32_0 = arith.constant 0 : i32
    return %arg0, %c0_i32 : i32, i32
  }
}

module attributes {stable_mosaic.version = 14 : i64} {
  func.func @_repack_body(%arg0: i32, %arg1: memref<32x65536xf32, #tpu.memory_space<vmem>>, %arg2: memref<16384x128xf32, #tpu.memory_space<vmem>>) attributes {dimension_semantics = [#tpu.dimension_semantics<arbitrary>], iteration_bounds = array<i64: 16>, scalar_prefetch = 0 : i64, scratch_operands = 0 : i64, tpu.core_type = #tpu.core_type<tc>, window_params = [{transform_indices = @transform_0, window_bounds = array<i64: 32, 65536>}, {transform_indices = @transform_1, window_bounds = array<i64: 16384, 128>}]} {
    %get3A = arith.constant 0 : index
    %get3A_0 = arith.constant 0 : index
    %get3A_1 = vector.load %arg1[%get3A, %get3A_0] : memref<32x65536xf32, #tpu.memory_space<vmem>>, vector<32x65536xf32>
    %slice3A = vector.extract_strided_slice %get3A_1 {offsets = [0, 0], sizes = [32, 512], strides = [1, 1]} : vector<32x65536xf32> to vector<32x512xf32>
    %reshape3A = vector.shape_cast %slice3A : vector<32x512xf32> to vector<32x4x128xf32>
    %transpose3A = tpu.transpose %reshape3A, [1, 0, 2] : vector<32x4x128xf32> -> vector<4x32x128xf32>
    %reshape3A_2 = vector.shape_cast %transpose3A : vector<4x32x128xf32> to vector<128x128xf32>
    %transpose3A_3 = tpu.transpose %reshape3A_2, [1, 0] : vector<128x128xf32> -> vector<128x128xf32>
    %swap3A = arith.constant 0 : index
    %swap3A_4 = arith.constant 0 : index
    %swap3A_5 = vector.load %arg2[%swap3A, %swap3A_4] : memref<16384x128xf32, #tpu.memory_space<vmem>>, vector<128x128xf32>
    tpu.vector_store %arg2[%swap3A, %swap3A_4], %transpose3A_3 {strides = array<i32>} : memref<16384x128xf32, #tpu.memory_space<vmem>>, vector<128x128xf32>,
    %slice3A_6 = vector.extract_strided_slice %get3A_1 {offsets = [0, 512], sizes = [32, 512], strides = [1, 1]} : vector<32x65536xf32> to vector<32x512xf32>
    %reshape3A_7 = vector.shape_cast %slice3A_6 : vector<32x512xf32> to vector<32x4x128xf32>
    %transpose3A_8 = tpu.transpose %reshape3A_7, [1, 0, 2] : vector<32x4x128xf32> -> vector<4x32x128xf32>
    %reshape3A_9 = vector.shape_cast %transpose3A_8 : vector<4x32x128xf32> to vector<128x128xf32>
    %transpose3A_10 = tpu.transpose %reshape3A_9, [1, 0] : vector<128x128xf32> -> vector<128x128xf32>
    %swap3A_11 = arith.constant 128 : index
    %swap3A_12 = arith.constant 0 : index
    %swap3A_13 = vector.load %arg2[%swap3A_11, %swap3A_12] : memref<16384x128xf32, #tpu.memory_space<vmem>>, vector<128x128xf32>
    tpu.vector_store %arg2[%swap3A_11, %swap3A_12], %transpose3A_10 {strides = array<i32>} : memref<16384x128xf32, #tpu.memory_space<vmem>>, vector<128x128xf32>,
    %slice3A_14 = vector.extract_strided_slice %get3A_1 {offsets = [0, 1024], sizes = [32, 512], strides = [1, 1]} : vector<32x65536xf32> to vector<32x512xf32>
    %reshape3A_15 = vector.shape_cast %slice3A_14 : vector<32x512xf32> to vector<32x4x128xf32>
    %transpose3A_16 = tpu.transpose %reshape3A_15, [1, 0, 2] : vector<32x4x128xf32> -> vector<4x32x128xf32>
    %reshape3A_17 = vector.shape_cast %transpose3A_16 : vector<4x32x128xf32> to vector<128x128xf32>
    %transpose3A_18 = tpu.transpose %reshape3A_17, [1, 0] : vector<128x128xf32> -> vector<128x128xf32>
    %swap3A_19 = arith.constant 256 : index
    %swap3A_20 = arith.constant 0 : index
    %swap3A_21 = vector.load %arg2[%swap3A_19, %swap3A_20] : memref<16384x128xf32, #tpu.memory_space<vmem>>, vector<128x128xf32>
    tpu.vector_store %arg2[%swap3A_19, %swap3A_20], %transpose3A_18 {strides = array<i32>} : memref<16384x128xf32, #tpu.memory_space<vmem>>, vector<128x128xf32>,
    %slice3A_22 = vector.extract_strided_slice %get3A_1 {offsets = [0, 1536], sizes = [32, 512], strides = [1, 1]} : vector<32x65536xf32> to vector<32x512xf32>
    %reshape3A_23 = vector.shape_cast %slice3A_22 : vector<32x512xf32> to vector<32x4x128xf32>
    %transpose3A_24 = tpu.transpose %reshape3A_23, [1, 0, 2] : vector<32x4x128xf32> -> vector<4x32x128xf32>
    %reshape3A_25 = vector.shape_cast %transpose3A_24 : vector<4x32x128xf32> to vector<128x128xf32>
    %transpose3A_26 = tpu.transpose %reshape3A_25, [1, 0] : vector<128x128xf32> -> vector<128x128xf32>
    %swap3A_27 = arith.constant 384 : index
    %swap3A_28 = arith.constant 0 : index
    %swap3A_29 = vector.load %arg2[%swap3A_27, %swap3A_28] : memref<16384x128xf32, #tpu.memory_space<vmem>>, vector<128x128xf32>
    tpu.vector_store %arg2[%swap3A_27, %swap3A_28], %transpose3A_26 {strides = array<i32>} : memref<16384x128xf32, #tpu.memory_space<vmem>>, vector<128x128xf32>,
    %slice3A_30 = vector.extract_strided_slice %get3A_1 {offsets = [0, 2048], sizes = [32, 512], strides = [1, 1]} : vector<32x65536xf32> to vector<32x512xf32>
    %reshape3A_31 = vector.shape_cast %slice3A_30 : vector<32x512xf32> to vector<32x4x128xf32>
    %transpose3A_32 = tpu.transpose %reshape3A_31, [1, 0, 2] : vector<32x4x128xf32> -> vector<4x32x128xf32>
    %reshape3A_33 = vector.shape_cast %transpose3A_32 : vector<4x32x128xf32> to vector<128x128xf32>
    %transpose3A_34 = tpu.transpose %reshape3A_33, [1, 0] : vector<128x128xf32> -> vector<128x128xf32>
    %swap3A_35 = arith.constant 512 : index
    %swap3A_36 = arith.constant 0 : index
    %swap3A_37 = vector.load %arg2[%swap3A_35, %swap3A_36] : memref<16384x128xf32, #tpu.memory_space<vmem>>, vector<128x128xf32>
    tpu.vector_store %arg2[%swap3A_35, %swap3A_36], %transpose3A_34 {strides = array<i32>} : memref<16384x128xf32, #tpu.memory_space<vmem>>, vector<128x128xf32>,
    %slice3A_38 = vector.extract_strided_slice %get3A_1 {offsets = [0, 2560], sizes = [32, 512], strides = [1, 1]} : vector<32x65536xf32> to vector<32x512xf32>
    %reshape3A_39 = vector.shape_cast %slice3A_38 : vector<32x512xf32> to vector<32x4x128xf32>
    %transpose3A_40 = tpu.transpose %reshape3A_39, [1, 0, 2] : vector<32x4x128xf32> -> vector<4x32x128xf32>
    %reshape3A_41 = vector.shape_cast %transpose3A_40 : vector<4x32x128xf32> to vector<128x128xf32>
    %transpose3A_42 = tpu.transpose %reshape3A_41, [1, 0] : vector<128x128xf32> -> vector<128x128xf32>
    %swap3A_43 = arith.constant 640 : index
    %swap3A_44 = arith.constant 0 : index
    %swap3A_45 = vector.load %arg2[%swap3A_43, %swap3A_44] : memref<16384x128xf32, #tpu.memory_space<vmem>>, vector<128x128xf32>
    tpu.vector_store %arg2[%swap3A_43, %swap3A_44], %transpose3A_42 {strides = array<i32>} : memref<16384x128xf32, #tpu.memory_space<vmem>>, vector<128x128xf32>,
    %slice3A_46 = vector.extract_strided_slice %get3A_1 {offsets = [0, 3072], sizes = [32, 512], strides = [1, 1]} : vector<32x65536xf32> to vector<32x512xf32>
    %reshape3A_47 = vector.shape_cast %slice3A_46 : vector<32x512xf32> to vector<32x4x128xf32>
    %transpose3A_48 = tpu.transpose %reshape3A_47, [1, 0, 2] : vector<32x4x128xf32> -> vector<4x32x128xf32>
    %reshape3A_49 = vector.shape_cast %transpose3A_48 : vector<4x32x128xf32> to vector<128x128xf32>
    %transpose3A_50 = tpu.transpose %reshape3A_49, [1, 0] : vector<128x128xf32> -> vector<128x128xf32>
    %swap3A_51 = arith.constant 768 : index
    %swap3A_52 = arith.constant 0 : index
    %swap3A_53 = vector.load %arg2[%swap3A_51, %swap3A_52] : memref<16384x128xf32, #tpu.memory_space<vmem>>, vector<128x128xf32>
    tpu.vector_store %arg2[%swap3A_51, %swap3A_52], %transpose3A_50 {strides = array<i32>} : memref<16384x128xf32, #tpu.memory_space<vmem>>, vector<128x128xf32>,
    %slice3A_54 = vector.extract_strided_slice %get3A_1 {offsets = [0, 3584], sizes = [32, 512], strides = [1, 1]} : vector<32x65536xf32> to vector<32x512xf32>
    %reshape3A_55 = vector.shape_cast %slice3A_54 : vector<32x512xf32> to vector<32x4x128xf32>
    %transpose3A_56 = tpu.transpose %reshape3A_55, [1, 0, 2] : vector<32x4x128xf32> -> vector<4x32x128xf32>
    %reshape3A_57 = vector.shape_cast %transpose3A_56 : vector<4x32x128xf32> to vector<128x128xf32>
    %transpose3A_58 = tpu.transpose %reshape3A_57, [1, 0] : vector<128x128xf32> -> vector<128x128xf32>
    %swap3A_59 = arith.constant 896 : index
    %swap3A_60 = arith.constant 0 : index
    %swap3A_61 = vector.load %arg2[%swap3A_59, %swap3A_60] : memref<16384x128xf32, #tpu.memory_space<vmem>>, vector<128x128xf32>
    tpu.vector_store %arg2[%swap3A_59, %swap3A_60], %transpose3A_58 {strides = array<i32>} : memref<16384x128xf32, #tpu.memory_space<vmem>>, vector<128x128xf32>,
    %slice3A_62 = vector.extract_strided_slice %get3A_1 {offsets = [0, 4096], sizes = [32, 512], strides = [1, 1]} : vector<32x65536xf32> to vector<32x512xf32>
    %reshape3A_63 = vector.shape_cast %slice3A_62 : vector<32x512xf32> to vector<32x4x128xf32>
    %transpose3A_64 = tpu.transpose %reshape3A_63, [1, 0, 2] : vector<32x4x128xf32> -> vector<4x32x128xf32>
    %reshape3A_65 = vector.shape_cast %transpose3A_64 : vector<4x32x128xf32> to vector<128x128xf32>
    %transpose3A_66 = tpu.transpose %reshape3A_65, [1, 0] : vector<128x128xf32> -> vector<128x128xf32>
    %swap3A_67 = arith.constant 1024 : index
    %swap3A_68 = arith.constant 0 : index
    %swap3A_69 = vector.load %arg2[%swap3A_67, %swap3A_68] : memref<16384x128xf32, #tpu.memory_space<vmem>>, vector<128x128xf32>
    tpu.vector_store %arg2[%swap3A_67, %swap3A_68], %transpose3A_66 {strides = array<i32>} : memref<16384x128xf32, #tpu.memory_space<vmem>>, vector<128x128xf32>,
    %slice3A_70 = vector.extract_strided_slice %get3A_1 {offsets = [0, 4608], sizes = [32, 512], strides = [1, 1]} : vector<32x65536xf32> to vector<32x512xf32>
    %reshape3A_71 = vector.shape_cast %slice3A_70 : vector<32x512xf32> to vector<32x4x128xf32>
    %transpose3A_72 = tpu.transpose %reshape3A_71, [1, 0, 2] : vector<32x4x128xf32> -> vector<4x32x128xf32>
    %reshape3A_73 = vector.shape_cast %transpose3A_72 : vector<4x32x128xf32> to vector<128x128xf32>
    %transpose3A_74 = tpu.transpose %reshape3A_73, [1, 0] : vector<128x128xf32> -> vector<128x128xf32>
    %swap3A_75 = arith.constant 1152 : index
    %swap3A_76 = arith.constant 0 : index
    %swap3A_77 = vector.load %arg2[%swap3A_75, %swap3A_76] : memref<16384x128xf32, #tpu.memory_space<vmem>>, vector<128x128xf32>
    tpu.vector_store %arg2[%swap3A_75, %swap3A_76], %transpose3A_74 {strides = array<i32>} : memref<16384x128xf32, #tpu.memory_space<vmem>>, vector<128x128xf32>,
    %slice3A_78 = vector.extract_strided_slice %get3A_1 {offsets = [0, 5120], sizes = [32, 512], strides = [1, 1]} : vector<32x65536xf32> to vector<32x512xf32>
    %reshape3A_79 = vector.shape_cast %slice3A_78 : vector<32x512xf32> to vector<32x4x128xf32>
    %transpose3A_80 = tpu.transpose %reshape3A_79, [1, 0, 2] : vector<32x4x128xf32> -> vector<4x32x128xf32>
    %reshape3A_81 = vector.shape_cast %transpose3A_80 : vector<4x32x128xf32> to vector<128x128xf32>
    %transpose3A_82 = tpu.transpose %reshape3A_81, [1, 0] : vector<128x128xf32> -> vector<128x128xf32>
    %swap3A_83 = arith.constant 1280 : index
    %swap3A_84 = arith.constant 0 : index
    %swap3A_85 = vector.load %arg2[%swap3A_83, %swap3A_84] : memref<16384x128xf32, #tpu.memory_space<vmem>>, vector<128x128xf32>
    tpu.vector_store %arg2[%swap3A_83, %swap3A_84], %transpose3A_82 {strides = array<i32>} : memref<16384x128xf32, #tpu.memory_space<vmem>>, vector<128x128xf32>,
    %slice3A_86 = vector.extract_strided_slice %get3A_1 {offsets = [0, 5632], sizes = [32, 512], strides = [1, 1]} : vector<32x65536xf32> to vector<32x512xf32>
    %reshape3A_87 = vector.shape_cast %slice3A_86 : vector<32x512xf32> to vector<32x4x128xf32>
    %transpose3A_88 = tpu.transpose %reshape3A_87, [1, 0, 2] : vector<32x4x128xf32> -> vector<4x32x128xf32>
    %reshape3A_89 = vector.shape_cast %transpose3A_88 : vector<4x32x128xf32> to vector<128x128xf32>
    %transpose3A_90 = tpu.transpose %reshape3A_89, [1, 0] : vector<128x128xf32> -> vector<128x128xf32>
    %swap3A_91 = arith.constant 1408 : index
    %swap3A_92 = arith.constant 0 : index
    %swap3A_93 = vector.load %arg2[%swap3A_91, %swap3A_92] : memref<16384x128xf32, #tpu.memory_space<vmem>>, vector<128x128xf32>
    tpu.vector_store %arg2[%swap3A_91, %swap3A_92], %transpose3A_90 {strides = array<i32>} : memref<16384x128xf32, #tpu.memory_space<vmem>>, vector<128x128xf32>,
    %slice3A_94 = vector.extract_strided_slice %get3A_1 {offsets = [0, 6144], sizes = [32, 512], strides = [1, 1]} : vector<32x65536xf32> to vector<32x512xf32>
    %reshape3A_95 = vector.shape_cast %slice3A_94 : vector<32x512xf32> to vector<32x4x128xf32>
    %transpose3A_96 = tpu.transpose %reshape3A_95, [1, 0, 2] : vector<32x4x128xf32> -> vector<4x32x128xf32>
    %reshape3A_97 = vector.shape_cast %transpose3A_96 : vector<4x32x128xf32> to vector<128x128xf32>
    %transpose3A_98 = tpu.transpose %reshape3A_97, [1, 0] : vector<128x128xf32> -> vector<128x128xf32>
    %swap3A_99 = arith.constant 1536 : index
    %swap3A_100 = arith.constant 0 : index
    %swap3A_101 = vector.load %arg2[%swap3A_99, %swap3A_100] : memref<16384x128xf32, #tpu.memory_space<vmem>>, vector<128x128xf32>
    tpu.vector_store %arg2[%swap3A_99, %swap3A_100], %transpose3A_98 {strides = array<i32>} : memref<16384x128xf32, #tpu.memory_space<vmem>>, vector<128x128xf32>,
    %slice3A_102 = vector.extract_strided_slice %get3A_1 {offsets = [0, 6656], sizes = [32, 512], strides = [1, 1]} : vector<32x65536xf32> to vector<32x512xf32>
    %reshape3A_103 = vector.shape_cast %slice3A_102 : vector<32x512xf32> to vector<32x4x128xf32>
    %transpose3A_104 = tpu.transpose %reshape3A_103, [1, 0, 2] : vector<32x4x128xf32> -> vector<4x32x128xf32>
    %reshape3A_105 = vector.shape_cast %transpose3A_104 : vector<4x32x128xf32> to vector<128x128xf32>
    %transpose3A_106 = tpu.transpose %reshape3A_105, [1, 0] : vector<128x128xf32> -> vector<128x128xf32>
    %swap3A_107 = arith.constant 1664 : index
    %swap3A_108 = arith.constant 0 : index
    %swap3A_109 = vector.load %arg2[%swap3A_107, %swap3A_108] : memref<16384x128xf32, #tpu.memory_space<vmem>>, vector<128x128xf32>
    tpu.vector_store %arg2[%swap3A_107, %swap3A_108], %transpose3A_106 {strides = array<i32>} : memref<16384x128xf32, #tpu.memory_space<vmem>>, vector<128x128xf32>,
    %slice3A_110 = vector.extract_strided_slice %get3A_1 {offsets = [0, 7168], sizes = [32, 512], strides = [1, 1]} : vector<32x65536xf32> to vector<32x512xf32>
    %reshape3A_111 = vector.shape_cast %slice3A_110 : vector<32x512xf32> to vector<32x4x128xf32>
    %transpose3A_112 = tpu.transpose %reshape3A_111, [1, 0, 2] : vector<32x4x128xf32> -> vector<4x32x128xf32>
    %reshape3A_113 = vector.shape_cast %transpose3A_112 : vector<4x32x128xf32> to vector<128x128xf32>
    %transpose3A_114 = tpu.transpose %reshape3A_113, [1, 0] : vector<128x128xf32> -> vector<128x128xf32>
    %swap3A_115 = arith.constant 1792 : index
    %swap3A_116 = arith.constant 0 : index
    %swap3A_117 = vector.load %arg2[%swap3A_115, %swap3A_116] : memref<16384x128xf32, #tpu.memory_space<vmem>>, vector<128x128xf32>
    tpu.vector_store %arg2[%swap3A_115, %swap3A_116], %transpose3A_114 {strides = array<i32>} : memref<16384x128xf32, #tpu.memory_space<vmem>>, vector<128x128xf32>,
    %slice3A_118 = vector.extract_strided_slice %get3A_1 {offsets = [0, 7680], sizes = [32, 512], strides = [1, 1]} : vector<32x65536xf32> to vector<32x512xf32>
    %reshape3A_119 = vector.shape_cast %slice3A_118 : vector<32x512xf32> to vector<32x4x128xf32>
    %transpose3A_120 = tpu.transpose %reshape3A_119, [1, 0, 2] : vector<32x4x128xf32> -> vector<4x32x128xf32>
    %reshape3A_121 = vector.shape_cast %transpose3A_120 : vector<4x32x128xf32> to vector<128x128xf32>
    %transpose3A_122 = tpu.transpose %reshape3A_121, [1, 0] : vector<128x128xf32> -> vector<128x128xf32>
    %swap3A_123 = arith.constant 1920 : index
    %swap3A_124 = arith.constant 0 : index
    %swap3A_125 = vector.load %arg2[%swap3A_123, %swap3A_124] : memref<16384x128xf32, #tpu.memory_space<vmem>>, vector<128x128xf32>
    tpu.vector_store %arg2[%swap3A_123, %swap3A_124], %transpose3A_122 {strides = array<i32>} : memref<16384x128xf32, #tpu.memory_space<vmem>>, vector<128x128xf32>,
    %slice3A_126 = vector.extract_strided_slice %get3A_1 {offsets = [0, 8192], sizes = [32, 512], strides = [1, 1]} : vector<32x65536xf32> to vector<32x512xf32>
    %reshape3A_127 = vector.shape_cast %slice3A_126 : vector<32x512xf32> to vector<32x4x128xf32>
    %transpose3A_128 = tpu.transpose %reshape3A_127, [1, 0, 2] : vector<32x4x128xf32> -> vector<4x32x128xf32>
    %reshape3A_129 = vector.shape_cast %transpose3A_128 : vector<4x32x128xf32> to vector<128x128xf32>
    %transpose3A_130 = tpu.transpose %reshape3A_129, [1, 0] : vector<128x128xf32> -> vector<128x128xf32>
    %swap3A_131 = arith.constant 2048 : index
    %swap3A_132 = arith.constant 0 : index
    %swap3A_133 = vector.load %arg2[%swap3A_131, %swap3A_132] : memref<16384x128xf32, #tpu.memory_space<vmem>>, vector<128x128xf32>
    tpu.vector_store %arg2[%swap3A_131, %swap3A_132], %transpose3A_130 {strides = array<i32>} : memref<16384x128xf32, #tpu.memory_space<vmem>>, vector<128x128xf32>,
    %slice3A_134 = vector.extract_strided_slice %get3A_1 {offsets = [0, 8704], sizes = [32, 512], strides = [1, 1]} : vector<32x65536xf32> to vector<32x512xf32>
    %reshape3A_135 = vector.shape_cast %slice3A_134 : vector<32x512xf32> to vector<32x4x128xf32>
    %transpose3A_136 = tpu.transpose %reshape3A_135, [1, 0, 2] : vector<32x4x128xf32> -> vector<4x32x128xf32>
    %reshape3A_137 = vector.shape_cast %transpose3A_136 : vector<4x32x128xf32> to vector<128x128xf32>
    %transpose3A_138 = tpu.transpose %reshape3A_137, [1, 0] : vector<128x128xf32> -> vector<128x128xf32>
    %swap3A_139 = arith.constant 2176 : index
    %swap3A_140 = arith.constant 0 : index
    %swap3A_141 = vector.load %arg2[%swap3A_139, %swap3A_140] : memref<16384x128xf32, #tpu.memory_space<vmem>>, vector<128x128xf32>
    tpu.vector_store %arg2[%swap3A_139, %swap3A_140], %transpose3A_138 {strides = array<i32>} : memref<16384x128xf32, #tpu.memory_space<vmem>>, vector<128x128xf32>,
    %slice3A_142 = vector.extract_strided_slice %get3A_1 {offsets = [0, 9216], sizes = [32, 512], strides = [1, 1]} : vector<32x65536xf32> to vector<32x512xf32>
    %reshape3A_143 = vector.shape_cast %slice3A_142 : vector<32x512xf32> to vector<32x4x128xf32>
    %transpose3A_144 = tpu.transpose %reshape3A_143, [1, 0, 2] : vector<32x4x128xf32> -> vector<4x32x128xf32>
    %reshape3A_145 = vector.shape_cast %transpose3A_144 : vector<4x32x128xf32> to vector<128x128xf32>
    %transpose3A_146 = tpu.transpose %reshape3A_145, [1, 0] : vector<128x128xf32> -> vector<128x128xf32>
    %swap3A_147 = arith.constant 2304 : index
    %swap3A_148 = arith.constant 0 : index
    %swap3A_149 = vector.load %arg2[%swap3A_147, %swap3A_148] : memref<16384x128xf32, #tpu.memory_space<vmem>>, vector<128x128xf32>
    tpu.vector_store %arg2[%swap3A_147, %swap3A_148], %transpose3A_146 {strides = array<i32>} : memref<16384x128xf32, #tpu.memory_space<vmem>>, vector<128x128xf32>,
    %slice3A_150 = vector.extract_strided_slice %get3A_1 {offsets = [0, 9728], sizes = [32, 512], strides = [1, 1]} : vector<32x65536xf32> to vector<32x512xf32>
    %reshape3A_151 = vector.shape_cast %slice3A_150 : vector<32x512xf32> to vector<32x4x128xf32>
    %transpose3A_152 = tpu.transpose %reshape3A_151, [1, 0, 2] : vector<32x4x128xf32> -> vector<4x32x128xf32>
    %reshape3A_153 = vector.shape_cast %transpose3A_152 : vector<4x32x128xf32> to vector<128x128xf32>
    %transpose3A_154 = tpu.transpose %reshape3A_153, [1, 0] : vector<128x128xf32> -> vector<128x128xf32>
    %swap3A_155 = arith.constant 2432 : index
    %swap3A_156 = arith.constant 0 : index
    %swap3A_157 = vector.load %arg2[%swap3A_155, %swap3A_156] : memref<16384x128xf32, #tpu.memory_space<vmem>>, vector<128x128xf32>
    tpu.vector_store %arg2[%swap3A_155, %swap3A_156], %transpose3A_154 {strides = array<i32>} : memref<16384x128xf32, #tpu.memory_space<vmem>>, vector<128x128xf32>,
    %slice3A_158 = vector.extract_strided_slice %get3A_1 {offsets = [0, 10240], sizes = [32, 512], strides = [1, 1]} : vector<32x65536xf32> to vector<32x512xf32>
    %reshape3A_159 = vector.shape_cast %slice3A_158 : vector<32x512xf32> to vector<32x4x128xf32>
    %transpose3A_160 = tpu.transpose %reshape3A_159, [1, 0, 2] : vector<32x4x128xf32> -> vector<4x32x128xf32>
    %reshape3A_161 = vector.shape_cast %transpose3A_160 : vector<4x32x128xf32> to vector<128x128xf32>
    %transpose3A_162 = tpu.transpose %reshape3A_161, [1, 0] : vector<128x128xf32> -> vector<128x128xf32>
    %swap3A_163 = arith.constant 2560 : index
    %swap3A_164 = arith.constant 0 : index
    %swap3A_165 = vector.load %arg2[%swap3A_163, %swap3A_164] : memref<16384x128xf32, #tpu.memory_space<vmem>>, vector<128x128xf32>
    tpu.vector_store %arg2[%swap3A_163, %swap3A_164], %transpose3A_162 {strides = array<i32>} : memref<16384x128xf32, #tpu.memory_space<vmem>>, vector<128x128xf32>,
    %slice3A_166 = vector.extract_strided_slice %get3A_1 {offsets = [0, 10752], sizes = [32, 512], strides = [1, 1]} : vector<32x65536xf32> to vector<32x512xf32>
    %reshape3A_167 = vector.shape_cast %slice3A_166 : vector<32x512xf32> to vector<32x4x128xf32>
    %transpose3A_168 = tpu.transpose %reshape3A_167, [1, 0, 2] : vector<32x4x128xf32> -> vector<4x32x128xf32>
    %reshape3A_169 = vector.shape_cast %transpose3A_168 : vector<4x32x128xf32> to vector<128x128xf32>
    %transpose3A_170 = tpu.transpose %reshape3A_169, [1, 0] : vector<128x128xf32> -> vector<128x128xf32>
    %swap3A_171 = arith.constant 2688 : index
    %swap3A_172 = arith.constant 0 : index
    %swap3A_173 = vector.load %arg2[%swap3A_171, %swap3A_172] : memref<16384x128xf32, #tpu.memory_space<vmem>>, vector<128x128xf32>
    tpu.vector_store %arg2[%swap3A_171, %swap3A_172], %transpose3A_170 {strides = array<i32>} : memref<16384x128xf32, #tpu.memory_space<vmem>>, vector<128x128xf32>,
    %slice3A_174 = vector.extract_strided_slice %get3A_1 {offsets = [0, 11264], sizes = [32, 512], strides = [1, 1]} : vector<32x65536xf32> to vector<32x512xf32>
    %reshape3A_175 = vector.shape_cast %slice3A_174 : vector<32x512xf32> to vector<32x4x128xf32>
    %transpose3A_176 = tpu.transpose %reshape3A_175, [1, 0, 2] : vector<32x4x128xf32> -> vector<4x32x128xf32>
    %reshape3A_177 = vector.shape_cast %transpose3A_176 : vector<4x32x128xf32> to vector<128x128xf32>
    %transpose3A_178 = tpu.transpose %reshape3A_177, [1, 0] : vector<128x128xf32> -> vector<128x128xf32>
    %swap3A_179 = arith.constant 2816 : index
    %swap3A_180 = arith.constant 0 : index
    %swap3A_181 = vector.load %arg2[%swap3A_179, %swap3A_180] : memref<16384x128xf32, #tpu.memory_space<vmem>>, vector<128x128xf32>
    tpu.vector_store %arg2[%swap3A_179, %swap3A_180], %transpose3A_178 {strides = array<i32>} : memref<16384x128xf32, #tpu.memory_space<vmem>>, vector<128x128xf32>,
    %slice3A_182 = vector.extract_strided_slice %get3A_1 {offsets = [0, 11776], sizes = [32, 512], strides = [1, 1]} : vector<32x65536xf32> to vector<32x512xf32>
    %reshape3A_183 = vector.shape_cast %slice3A_182 : vector<32x512xf32> to vector<32x4x128xf32>
    %transpose3A_184 = tpu.transpose %reshape3A_183, [1, 0, 2] : vector<32x4x128xf32> -> vector<4x32x128xf32>
    %reshape3A_185 = vector.shape_cast %transpose3A_184 : vector<4x32x128xf32> to vector<128x128xf32>
    %transpose3A_186 = tpu.transpose %reshape3A_185, [1, 0] : vector<128x128xf32> -> vector<128x128xf32>
    %swap3A_187 = arith.constant 2944 : index
    %swap3A_188 = arith.constant 0 : index
    %swap3A_189 = vector.load %arg2[%swap3A_187, %swap3A_188] : memref<16384x128xf32, #tpu.memory_space<vmem>>, vector<128x128xf32>
    tpu.vector_store %arg2[%swap3A_187, %swap3A_188], %transpose3A_186 {strides = array<i32>} : memref<16384x128xf32, #tpu.memory_space<vmem>>, vector<128x128xf32>,
    %slice3A_190 = vector.extract_strided_slice %get3A_1 {offsets = [0, 12288], sizes = [32, 512], strides = [1, 1]} : vector<32x65536xf32> to vector<32x512xf32>
    %reshape3A_191 = vector.shape_cast %slice3A_190 : vector<32x512xf32> to vector<32x4x128xf32>
    %transpose3A_192 = tpu.transpose %reshape3A_191, [1, 0, 2] : vector<32x4x128xf32> -> vector<4x32x128xf32>
    %reshape3A_193 = vector.shape_cast %transpose3A_192 : vector<4x32x128xf32> to vector<128x128xf32>
    %transpose3A_194 = tpu.transpose %reshape3A_193, [1, 0] : vector<128x128xf32> -> vector<128x128xf32>
    %swap3A_195 = arith.constant 3072 : index
    %swap3A_196 = arith.constant 0 : index
    %swap3A_197 = vector.load %arg2[%swap3A_195, %swap3A_196] : memref<16384x128xf32, #tpu.memory_space<vmem>>, vector<128x128xf32>
    tpu.vector_store %arg2[%swap3A_195, %swap3A_196], %transpose3A_194 {strides = array<i32>} : memref<16384x128xf32, #tpu.memory_space<vmem>>, vector<128x128xf32>,
    %slice3A_198 = vector.extract_strided_slice %get3A_1 {offsets = [0, 12800], sizes = [32, 512], strides = [1, 1]} : vector<32x65536xf32> to vector<32x512xf32>
    %reshape3A_199 = vector.shape_cast %slice3A_198 : vector<32x512xf32> to vector<32x4x128xf32>
    %transpose3A_200 = tpu.transpose %reshape3A_199, [1, 0, 2] : vector<32x4x128xf32> -> vector<4x32x128xf32>
    %reshape3A_201 = vector.shape_cast %transpose3A_200 : vector<4x32x128xf32> to vector<128x128xf32>
    %transpose3A_202 = tpu.transpose %reshape3A_201, [1, 0] : vector<128x128xf32> -> vector<128x128xf32>
    %swap3A_203 = arith.constant 3200 : index
    %swap3A_204 = arith.constant 0 : index
    %swap3A_205 = vector.load %arg2[%swap3A_203, %swap3A_204] : memref<16384x128xf32, #tpu.memory_space<vmem>>, vector<128x128xf32>
    tpu.vector_store %arg2[%swap3A_203, %swap3A_204], %transpose3A_202 {strides = array<i32>} : memref<16384x128xf32, #tpu.memory_space<vmem>>, vector<128x128xf32>,
    %slice3A_206 = vector.extract_strided_slice %get3A_1 {offsets = [0, 13312], sizes = [32, 512], strides = [1, 1]} : vector<32x65536xf32> to vector<32x512xf32>
    %reshape3A_207 = vector.shape_cast %slice3A_206 : vector<32x512xf32> to vector<32x4x128xf32>
    %transpose3A_208 = tpu.transpose %reshape3A_207, [1, 0, 2] : vector<32x4x128xf32> -> vector<4x32x128xf32>
    %reshape3A_209 = vector.shape_cast %transpose3A_208 : vector<4x32x128xf32> to vector<128x128xf32>
    %transpose3A_210 = tpu.transpose %reshape3A_209, [1, 0] : vector<128x128xf32> -> vector<128x128xf32>
    %swap3A_211 = arith.constant 3328 : index
    %swap3A_212 = arith.constant 0 : index
    %swap3A_213 = vector.load %arg2[%swap3A_211, %swap3A_212] : memref<16384x128xf32, #tpu.memory_space<vmem>>, vector<128x128xf32>
    tpu.vector_store %arg2[%swap3A_211, %swap3A_212], %transpose3A_210 {strides = array<i32>} : memref<16384x128xf32, #tpu.memory_space<vmem>>, vector<128x128xf32>,
    %slice3A_214 = vector.extract_strided_slice %get3A_1 {offsets = [0, 13824], sizes = [32, 512], strides = [1, 1]} : vector<32x65536xf32> to vector<32x512xf32>
    %reshape3A_215 = vector.shape_cast %slice3A_214 : vector<32x512xf32> to vector<32x4x128xf32>
    %transpose3A_216 = tpu.transpose %reshape3A_215, [1, 0, 2] : vector<32x4x128xf32> -> vector<4x32x128xf32>
    %reshape3A_217 = vector.shape_cast %transpose3A_216 : vector<4x32x128xf32> to vector<128x128xf32>
    %transpose3A_218 = tpu.transpose %reshape3A_217, [1, 0] : vector<128x128xf32> -> vector<128x128xf32>
    %swap3A_219 = arith.constant 3456 : index
    %swap3A_220 = arith.constant 0 : index
    %swap3A_221 = vector.load %arg2[%swap3A_219, %swap3A_220] : memref<16384x128xf32, #tpu.memory_space<vmem>>, vector<128x128xf32>
    tpu.vector_store %arg2[%swap3A_219, %swap3A_220], %transpose3A_218 {strides = array<i32>} : memref<16384x128xf32, #tpu.memory_space<vmem>>, vector<128x128xf32>,
    %slice3A_222 = vector.extract_strided_slice %get3A_1 {offsets = [0, 14336], sizes = [32, 512], strides = [1, 1]} : vector<32x65536xf32> to vector<32x512xf32>
    %reshape3A_223 = vector.shape_cast %slice3A_222 : vector<32x512xf32> to vector<32x4x128xf32>
    %transpose3A_224 = tpu.transpose %reshape3A_223, [1, 0, 2] : vector<32x4x128xf32> -> vector<4x32x128xf32>
    %reshape3A_225 = vector.shape_cast %transpose3A_224 : vector<4x32x128xf32> to vector<128x128xf32>
    %transpose3A_226 = tpu.transpose %reshape3A_225, [1, 0] : vector<128x128xf32> -> vector<128x128xf32>
    %swap3A_227 = arith.constant 3584 : index
    %swap3A_228 = arith.constant 0 : index
    %swap3A_229 = vector.load %arg2[%swap3A_227, %swap3A_228] : memref<16384x128xf32, #tpu.memory_space<vmem>>, vector<128x128xf32>
    tpu.vector_store %arg2[%swap3A_227, %swap3A_228], %transpose3A_226 {strides = array<i32>} : memref<16384x128xf32, #tpu.memory_space<vmem>>, vector<128x128xf32>,
    %slice3A_230 = vector.extract_strided_slice %get3A_1 {offsets = [0, 14848], sizes = [32, 512], strides = [1, 1]} : vector<32x65536xf32> to vector<32x512xf32>
    %reshape3A_231 = vector.shape_cast %slice3A_230 : vector<32x512xf32> to vector<32x4x128xf32>
    %transpose3A_232 = tpu.transpose %reshape3A_231, [1, 0, 2] : vector<32x4x128xf32> -> vector<4x32x128xf32>
    %reshape3A_233 = vector.shape_cast %transpose3A_232 : vector<4x32x128xf32> to vector<128x128xf32>
    %transpose3A_234 = tpu.transpose %reshape3A_233, [1, 0] : vector<128x128xf32> -> vector<128x128xf32>
    %swap3A_235 = arith.constant 3712 : index
    %swap3A_236 = arith.constant 0 : index
    %swap3A_237 = vector.load %arg2[%swap3A_235, %swap3A_236] : memref<16384x128xf32, #tpu.memory_space<vmem>>, vector<128x128xf32>
    tpu.vector_store %arg2[%swap3A_235, %swap3A_236], %transpose3A_234 {strides = array<i32>} : memref<16384x128xf32, #tpu.memory_space<vmem>>, vector<128x128xf32>,
    %slice3A_238 = vector.extract_strided_slice %get3A_1 {offsets = [0, 15360], sizes = [32, 512], strides = [1, 1]} : vector<32x65536xf32> to vector<32x512xf32>
    %reshape3A_239 = vector.shape_cast %slice3A_238 : vector<32x512xf32> to vector<32x4x128xf32>
    %transpose3A_240 = tpu.transpose %reshape3A_239, [1, 0, 2] : vector<32x4x128xf32> -> vector<4x32x128xf32>
    %reshape3A_241 = vector.shape_cast %transpose3A_240 : vector<4x32x128xf32> to vector<128x128xf32>
    %transpose3A_242 = tpu.transpose %reshape3A_241, [1, 0] : vector<128x128xf32> -> vector<128x128xf32>
    %swap3A_243 = arith.constant 3840 : index
    %swap3A_244 = arith.constant 0 : index
    %swap3A_245 = vector.load %arg2[%swap3A_243, %swap3A_244] : memref<16384x128xf32, #tpu.memory_space<vmem>>, vector<128x128xf32>
    tpu.vector_store %arg2[%swap3A_243, %swap3A_244], %transpose3A_242 {strides = array<i32>} : memref<16384x128xf32, #tpu.memory_space<vmem>>, vector<128x128xf32>,
    %slice3A_246 = vector.extract_strided_slice %get3A_1 {offsets = [0, 15872], sizes = [32, 512], strides = [1, 1]} : vector<32x65536xf32> to vector<32x512xf32>
    %reshape3A_247 = vector.shape_cast %slice3A_246 : vector<32x512xf32> to vector<32x4x128xf32>
    %transpose3A_248 = tpu.transpose %reshape3A_247, [1, 0, 2] : vector<32x4x128xf32> -> vector<4x32x128xf32>
    %reshape3A_249 = vector.shape_cast %transpose3A_248 : vector<4x32x128xf32> to vector<128x128xf32>
    %transpose3A_250 = tpu.transpose %reshape3A_249, [1, 0] : vector<128x128xf32> -> vector<128x128xf32>
    %swap3A_251 = arith.constant 3968 : index
    %swap3A_252 = arith.constant 0 : index
    %swap3A_253 = vector.load %arg2[%swap3A_251, %swap3A_252] : memref<16384x128xf32, #tpu.memory_space<vmem>>, vector<128x128xf32>
    tpu.vector_store %arg2[%swap3A_251, %swap3A_252], %transpose3A_250 {strides = array<i32>} : memref<16384x128xf32, #tpu.memory_space<vmem>>, vector<128x128xf32>,
    %slice3A_254 = vector.extract_strided_slice %get3A_1 {offsets = [0, 16384], sizes = [32, 512], strides = [1, 1]} : vector<32x65536xf32> to vector<32x512xf32>
    %reshape3A_255 = vector.shape_cast %slice3A_254 : vector<32x512xf32> to vector<32x4x128xf32>
    %transpose3A_256 = tpu.transpose %reshape3A_255, [1, 0, 2] : vector<32x4x128xf32> -> vector<4x32x128xf32>
    %reshape3A_257 = vector.shape_cast %transpose3A_256 : vector<4x32x128xf32> to vector<128x128xf32>
    %transpose3A_258 = tpu.transpose %reshape3A_257, [1, 0] : vector<128x128xf32> -> vector<128x128xf32>
    %swap3A_259 = arith.constant 4096 : index
    %swap3A_260 = arith.constant 0 : index
    %swap3A_261 = vector.load %arg2[%swap3A_259, %swap3A_260] : memref<16384x128xf32, #tpu.memory_space<vmem>>, vector<128x128xf32>
    tpu.vector_store %arg2[%swap3A_259, %swap3A_260], %transpose3A_258 {strides = array<i32>} : memref<16384x128xf32, #tpu.memory_space<vmem>>, vector<128x128xf32>,
    %slice3A_262 = vector.extract_strided_slice %get3A_1 {offsets = [0, 16896], sizes = [32, 512], strides = [1, 1]} : vector<32x65536xf32> to vector<32x512xf32>
    %reshape3A_263 = vector.shape_cast %slice3A_262 : vector<32x512xf32> to vector<32x4x128xf32>
    %transpose3A_264 = tpu.transpose %reshape3A_263, [1, 0, 2] : vector<32x4x128xf32> -> vector<4x32x128xf32>
    %reshape3A_265 = vector.shape_cast %transpose3A_264 : vector<4x32x128xf32> to vector<128x128xf32>
    %transpose3A_266 = tpu.transpose %reshape3A_265, [1, 0] : vector<128x128xf32> -> vector<128x128xf32>
    %swap3A_267 = arith.constant 4224 : index
    %swap3A_268 = arith.constant 0 : index
    %swap3A_269 = vector.load %arg2[%swap3A_267, %swap3A_268] : memref<16384x128xf32, #tpu.memory_space<vmem>>, vector<128x128xf32>
    tpu.vector_store %arg2[%swap3A_267, %swap3A_268], %transpose3A_266 {strides = array<i32>} : memref<16384x128xf32, #tpu.memory_space<vmem>>, vector<128x128xf32>,
    %slice3A_270 = vector.extract_strided_slice %get3A_1 {offsets = [0, 17408], sizes = [32, 512], strides = [1, 1]} : vector<32x65536xf32> to vector<32x512xf32>
    %reshape3A_271 = vector.shape_cast %slice3A_270 : vector<32x512xf32> to vector<32x4x128xf32>
    %transpose3A_272 = tpu.transpose %reshape3A_271, [1, 0, 2] : vector<32x4x128xf32> -> vector<4x32x128xf32>
    %reshape3A_273 = vector.shape_cast %transpose3A_272 : vector<4x32x128xf32> to vector<128x128xf32>
    %transpose3A_274 = tpu.transpose %reshape3A_273, [1, 0] : vector<128x128xf32> -> vector<128x128xf32>
    %swap3A_275 = arith.constant 4352 : index
    %swap3A_276 = arith.constant 0 : index
    %swap3A_277 = vector.load %arg2[%swap3A_275, %swap3A_276] : memref<16384x128xf32, #tpu.memory_space<vmem>>, vector<128x128xf32>
    tpu.vector_store %arg2[%swap3A_275, %swap3A_276], %transpose3A_274 {strides = array<i32>} : memref<16384x128xf32, #tpu.memory_space<vmem>>, vector<128x128xf32>,
    %slice3A_278 = vector.extract_strided_slice %get3A_1 {offsets = [0, 17920], sizes = [32, 512], strides = [1, 1]} : vector<32x65536xf32> to vector<32x512xf32>
    %reshape3A_279 = vector.shape_cast %slice3A_278 : vector<32x512xf32> to vector<32x4x128xf32>
    %transpose3A_280 = tpu.transpose %reshape3A_279, [1, 0, 2] : vector<32x4x128xf32> -> vector<4x32x128xf32>
    %reshape3A_281 = vector.shape_cast %transpose3A_280 : vector<4x32x128xf32> to vector<128x128xf32>
    %transpose3A_282 = tpu.transpose %reshape3A_281, [1, 0] : vector<128x128xf32> -> vector<128x128xf32>
    %swap3A_283 = arith.constant 4480 : index
    %swap3A_284 = arith.constant 0 : index
    %swap3A_285 = vector.load %arg2[%swap3A_283, %swap3A_284] : memref<16384x128xf32, #tpu.memory_space<vmem>>, vector<128x128xf32>
    tpu.vector_store %arg2[%swap3A_283, %swap3A_284], %transpose3A_282 {strides = array<i32>} : memref<16384x128xf32, #tpu.memory_space<vmem>>, vector<128x128xf32>,
    %slice3A_286 = vector.extract_strided_slice %get3A_1 {offsets = [0, 18432], sizes = [32, 512], strides = [1, 1]} : vector<32x65536xf32> to vector<32x512xf32>
    %reshape3A_287 = vector.shape_cast %slice3A_286 : vector<32x512xf32> to vector<32x4x128xf32>
    %transpose3A_288 = tpu.transpose %reshape3A_287, [1, 0, 2] : vector<32x4x128xf32> -> vector<4x32x128xf32>
    %reshape3A_289 = vector.shape_cast %transpose3A_288 : vector<4x32x128xf32> to vector<128x128xf32>
    %transpose3A_290 = tpu.transpose %reshape3A_289, [1, 0] : vector<128x128xf32> -> vector<128x128xf32>
    %swap3A_291 = arith.constant 4608 : index
    %swap3A_292 = arith.constant 0 : index
    %swap3A_293 = vector.load %arg2[%swap3A_291, %swap3A_292] : memref<16384x128xf32, #tpu.memory_space<vmem>>, vector<128x128xf32>
    tpu.vector_store %arg2[%swap3A_291, %swap3A_292], %transpose3A_290 {strides = array<i32>} : memref<16384x128xf32, #tpu.memory_space<vmem>>, vector<128x128xf32>,
    %slice3A_294 = vector.extract_strided_slice %get3A_1 {offsets = [0, 18944], sizes = [32, 512], strides = [1, 1]} : vector<32x65536xf32> to vector<32x512xf32>
    %reshape3A_295 = vector.shape_cast %slice3A_294 : vector<32x512xf32> to vector<32x4x128xf32>
    %transpose3A_296 = tpu.transpose %reshape3A_295, [1, 0, 2] : vector<32x4x128xf32> -> vector<4x32x128xf32>
    %reshape3A_297 = vector.shape_cast %transpose3A_296 : vector<4x32x128xf32> to vector<128x128xf32>
    %transpose3A_298 = tpu.transpose %reshape3A_297, [1, 0] : vector<128x128xf32> -> vector<128x128xf32>
    %swap3A_299 = arith.constant 4736 : index
    %swap3A_300 = arith.constant 0 : index
    %swap3A_301 = vector.load %arg2[%swap3A_299, %swap3A_300] : memref<16384x128xf32, #tpu.memory_space<vmem>>, vector<128x128xf32>
    tpu.vector_store %arg2[%swap3A_299, %swap3A_300], %transpose3A_298 {strides = array<i32>} : memref<16384x128xf32, #tpu.memory_space<vmem>>, vector<128x128xf32>,
    %slice3A_302 = vector.extract_strided_slice %get3A_1 {offsets = [0, 19456], sizes = [32, 512], strides = [1, 1]} : vector<32x65536xf32> to vector<32x512xf32>
    %reshape3A_303 = vector.shape_cast %slice3A_302 : vector<32x512xf32> to vector<32x4x128xf32>
    %transpose3A_304 = tpu.transpose %reshape3A_303, [1, 0, 2] : vector<32x4x128xf32> -> vector<4x32x128xf32>
    %reshape3A_305 = vector.shape_cast %transpose3A_304 : vector<4x32x128xf32> to vector<128x128xf32>
    %transpose3A_306 = tpu.transpose %reshape3A_305, [1, 0] : vector<128x128xf32> -> vector<128x128xf32>
    %swap3A_307 = arith.constant 4864 : index
    %swap3A_308 = arith.constant 0 : index
    %swap3A_309 = vector.load %arg2[%swap3A_307, %swap3A_308] : memref<16384x128xf32, #tpu.memory_space<vmem>>, vector<128x128xf32>
    tpu.vector_store %arg2[%swap3A_307, %swap3A_308], %transpose3A_306 {strides = array<i32>} : memref<16384x128xf32, #tpu.memory_space<vmem>>, vector<128x128xf32>,
    %slice3A_310 = vector.extract_strided_slice %get3A_1 {offsets = [0, 19968], sizes = [32, 512], strides = [1, 1]} : vector<32x65536xf32> to vector<32x512xf32>
    %reshape3A_311 = vector.shape_cast %slice3A_310 : vector<32x512xf32> to vector<32x4x128xf32>
    %transpose3A_312 = tpu.transpose %reshape3A_311, [1, 0, 2] : vector<32x4x128xf32> -> vector<4x32x128xf32>
    %reshape3A_313 = vector.shape_cast %transpose3A_312 : vector<4x32x128xf32> to vector<128x128xf32>
    %transpose3A_314 = tpu.transpose %reshape3A_313, [1, 0] : vector<128x128xf32> -> vector<128x128xf32>
    %swap3A_315 = arith.constant 4992 : index
    %swap3A_316 = arith.constant 0 : index
    %swap3A_317 = vector.load %arg2[%swap3A_315, %swap3A_316] : memref<16384x128xf32, #tpu.memory_space<vmem>>, vector<128x128xf32>
    tpu.vector_store %arg2[%swap3A_315, %swap3A_316], %transpose3A_314 {strides = array<i32>} : memref<16384x128xf32, #tpu.memory_space<vmem>>, vector<128x128xf32>,
    %slice3A_318 = vector.extract_strided_slice %get3A_1 {offsets = [0, 20480], sizes = [32, 512], strides = [1, 1]} : vector<32x65536xf32> to vector<32x512xf32>
    %reshape3A_319 = vector.shape_cast %slice3A_318 : vector<32x512xf32> to vector<32x4x128xf32>
    %transpose3A_320 = tpu.transpose %reshape3A_319, [1, 0, 2] : vector<32x4x128xf32> -> vector<4x32x128xf32>
    %reshape3A_321 = vector.shape_cast %transpose3A_320 : vector<4x32x128xf32> to vector<128x128xf32>
    %transpose3A_322 = tpu.transpose %reshape3A_321, [1, 0] : vector<128x128xf32> -> vector<128x128xf32>
    %swap3A_323 = arith.constant 5120 : index
    %swap3A_324 = arith.constant 0 : index
    %swap3A_325 = vector.load %arg2[%swap3A_323, %swap3A_324] : memref<16384x128xf32, #tpu.memory_space<vmem>>, vector<128x128xf32>
    tpu.vector_store %arg2[%swap3A_323, %swap3A_324], %transpose3A_322 {strides = array<i32>} : memref<16384x128xf32, #tpu.memory_space<vmem>>, vector<128x128xf32>,
    %slice3A_326 = vector.extract_strided_slice %get3A_1 {offsets = [0, 20992], sizes = [32, 512], strides = [1, 1]} : vector<32x65536xf32> to vector<32x512xf32>
    %reshape3A_327 = vector.shape_cast %slice3A_326 : vector<32x512xf32> to vector<32x4x128xf32>
    %transpose3A_328 = tpu.transpose %reshape3A_327, [1, 0, 2] : vector<32x4x128xf32> -> vector<4x32x128xf32>
    %reshape3A_329 = vector.shape_cast %transpose3A_328 : vector<4x32x128xf32> to vector<128x128xf32>
    %transpose3A_330 = tpu.transpose %reshape3A_329, [1, 0] : vector<128x128xf32> -> vector<128x128xf32>
    %swap3A_331 = arith.constant 5248 : index
    %swap3A_332 = arith.constant 0 : index
    %swap3A_333 = vector.load %arg2[%swap3A_331, %swap3A_332] : memref<16384x128xf32, #tpu.memory_space<vmem>>, vector<128x128xf32>
    tpu.vector_store %arg2[%swap3A_331, %swap3A_332], %transpose3A_330 {strides = array<i32>} : memref<16384x128xf32, #tpu.memory_space<vmem>>, vector<128x128xf32>,
    %slice3A_334 = vector.extract_strided_slice %get3A_1 {offsets = [0, 21504], sizes = [32, 512], strides = [1, 1]} : vector<32x65536xf32> to vector<32x512xf32>
    %reshape3A_335 = vector.shape_cast %slice3A_334 : vector<32x512xf32> to vector<32x4x128xf32>
    %transpose3A_336 = tpu.transpose %reshape3A_335, [1, 0, 2] : vector<32x4x128xf32> -> vector<4x32x128xf32>
    %reshape3A_337 = vector.shape_cast %transpose3A_336 : vector<4x32x128xf32> to vector<128x128xf32>
    %transpose3A_338 = tpu.transpose %reshape3A_337, [1, 0] : vector<128x128xf32> -> vector<128x128xf32>
    %swap3A_339 = arith.constant 5376 : index
    %swap3A_340 = arith.constant 0 : index
    %swap3A_341 = vector.load %arg2[%swap3A_339, %swap3A_340] : memref<16384x128xf32, #tpu.memory_space<vmem>>, vector<128x128xf32>
    tpu.vector_store %arg2[%swap3A_339, %swap3A_340], %transpose3A_338 {strides = array<i32>} : memref<16384x128xf32, #tpu.memory_space<vmem>>, vector<128x128xf32>,
    %slice3A_342 = vector.extract_strided_slice %get3A_1 {offsets = [0, 22016], sizes = [32, 512], strides = [1, 1]} : vector<32x65536xf32> to vector<32x512xf32>
    %reshape3A_343 = vector.shape_cast %slice3A_342 : vector<32x512xf32> to vector<32x4x128xf32>
    %transpose3A_344 = tpu.transpose %reshape3A_343, [1, 0, 2] : vector<32x4x128xf32> -> vector<4x32x128xf32>
    %reshape3A_345 = vector.shape_cast %transpose3A_344 : vector<4x32x128xf32> to vector<128x128xf32>
    %transpose3A_346 = tpu.transpose %reshape3A_345, [1, 0] : vector<128x128xf32> -> vector<128x128xf32>
    %swap3A_347 = arith.constant 5504 : index
    %swap3A_348 = arith.constant 0 : index
    %swap3A_349 = vector.load %arg2[%swap3A_347, %swap3A_348] : memref<16384x128xf32, #tpu.memory_space<vmem>>, vector<128x128xf32>
    tpu.vector_store %arg2[%swap3A_347, %swap3A_348], %transpose3A_346 {strides = array<i32>} : memref<16384x128xf32, #tpu.memory_space<vmem>>, vector<128x128xf32>,
    %slice3A_350 = vector.extract_strided_slice %get3A_1 {offsets = [0, 22528], sizes = [32, 512], strides = [1, 1]} : vector<32x65536xf32> to vector<32x512xf32>
    %reshape3A_351 = vector.shape_cast %slice3A_350 : vector<32x512xf32> to vector<32x4x128xf32>
    %transpose3A_352 = tpu.transpose %reshape3A_351, [1, 0, 2] : vector<32x4x128xf32> -> vector<4x32x128xf32>
    %reshape3A_353 = vector.shape_cast %transpose3A_352 : vector<4x32x128xf32> to vector<128x128xf32>
    %transpose3A_354 = tpu.transpose %reshape3A_353, [1, 0] : vector<128x128xf32> -> vector<128x128xf32>
    %swap3A_355 = arith.constant 5632 : index
    %swap3A_356 = arith.constant 0 : index
    %swap3A_357 = vector.load %arg2[%swap3A_355, %swap3A_356] : memref<16384x128xf32, #tpu.memory_space<vmem>>, vector<128x128xf32>
    tpu.vector_store %arg2[%swap3A_355, %swap3A_356], %transpose3A_354 {strides = array<i32>} : memref<16384x128xf32, #tpu.memory_space<vmem>>, vector<128x128xf32>,
    %slice3A_358 = vector.extract_strided_slice %get3A_1 {offsets = [0, 23040], sizes = [32, 512], strides = [1, 1]} : vector<32x65536xf32> to vector<32x512xf32>
    %reshape3A_359 = vector.shape_cast %slice3A_358 : vector<32x512xf32> to vector<32x4x128xf32>
    %transpose3A_360 = tpu.transpose %reshape3A_359, [1, 0, 2] : vector<32x4x128xf32> -> vector<4x32x128xf32>
    %reshape3A_361 = vector.shape_cast %transpose3A_360 : vector<4x32x128xf32> to vector<128x128xf32>
    %transpose3A_362 = tpu.transpose %reshape3A_361, [1, 0] : vector<128x128xf32> -> vector<128x128xf32>
    %swap3A_363 = arith.constant 5760 : index
    %swap3A_364 = arith.constant 0 : index
    %swap3A_365 = vector.load %arg2[%swap3A_363, %swap3A_364] : memref<16384x128xf32, #tpu.memory_space<vmem>>, vector<128x128xf32>
    tpu.vector_store %arg2[%swap3A_363, %swap3A_364], %transpose3A_362 {strides = array<i32>} : memref<16384x128xf32, #tpu.memory_space<vmem>>, vector<128x128xf32>,
    %slice3A_366 = vector.extract_strided_slice %get3A_1 {offsets = [0, 23552], sizes = [32, 512], strides = [1, 1]} : vector<32x65536xf32> to vector<32x512xf32>
    %reshape3A_367 = vector.shape_cast %slice3A_366 : vector<32x512xf32> to vector<32x4x128xf32>
    %transpose3A_368 = tpu.transpose %reshape3A_367, [1, 0, 2] : vector<32x4x128xf32> -> vector<4x32x128xf32>
    %reshape3A_369 = vector.shape_cast %transpose3A_368 : vector<4x32x128xf32> to vector<128x128xf32>
    %transpose3A_370 = tpu.transpose %reshape3A_369, [1, 0] : vector<128x128xf32> -> vector<128x128xf32>
    %swap3A_371 = arith.constant 5888 : index
    %swap3A_372 = arith.constant 0 : index
    %swap3A_373 = vector.load %arg2[%swap3A_371, %swap3A_372] : memref<16384x128xf32, #tpu.memory_space<vmem>>, vector<128x128xf32>
    tpu.vector_store %arg2[%swap3A_371, %swap3A_372], %transpose3A_370 {strides = array<i32>} : memref<16384x128xf32, #tpu.memory_space<vmem>>, vector<128x128xf32>,
    %slice3A_374 = vector.extract_strided_slice %get3A_1 {offsets = [0, 24064], sizes = [32, 512], strides = [1, 1]} : vector<32x65536xf32> to vector<32x512xf32>
    %reshape3A_375 = vector.shape_cast %slice3A_374 : vector<32x512xf32> to vector<32x4x128xf32>
    %transpose3A_376 = tpu.transpose %reshape3A_375, [1, 0, 2] : vector<32x4x128xf32> -> vector<4x32x128xf32>
    %reshape3A_377 = vector.shape_cast %transpose3A_376 : vector<4x32x128xf32> to vector<128x128xf32>
    %transpose3A_378 = tpu.transpose %reshape3A_377, [1, 0] : vector<128x128xf32> -> vector<128x128xf32>
    %swap3A_379 = arith.constant 6016 : index
    %swap3A_380 = arith.constant 0 : index
    %swap3A_381 = vector.load %arg2[%swap3A_379, %swap3A_380] : memref<16384x128xf32, #tpu.memory_space<vmem>>, vector<128x128xf32>
    tpu.vector_store %arg2[%swap3A_379, %swap3A_380], %transpose3A_378 {strides = array<i32>} : memref<16384x128xf32, #tpu.memory_space<vmem>>, vector<128x128xf32>,
    %slice3A_382 = vector.extract_strided_slice %get3A_1 {offsets = [0, 24576], sizes = [32, 512], strides = [1, 1]} : vector<32x65536xf32> to vector<32x512xf32>
    %reshape3A_383 = vector.shape_cast %slice3A_382 : vector<32x512xf32> to vector<32x4x128xf32>
    %transpose3A_384 = tpu.transpose %reshape3A_383, [1, 0, 2] : vector<32x4x128xf32> -> vector<4x32x128xf32>
    %reshape3A_385 = vector.shape_cast %transpose3A_384 : vector<4x32x128xf32> to vector<128x128xf32>
    %transpose3A_386 = tpu.transpose %reshape3A_385, [1, 0] : vector<128x128xf32> -> vector<128x128xf32>
    %swap3A_387 = arith.constant 6144 : index
    %swap3A_388 = arith.constant 0 : index
    %swap3A_389 = vector.load %arg2[%swap3A_387, %swap3A_388] : memref<16384x128xf32, #tpu.memory_space<vmem>>, vector<128x128xf32>
    tpu.vector_store %arg2[%swap3A_387, %swap3A_388], %transpose3A_386 {strides = array<i32>} : memref<16384x128xf32, #tpu.memory_space<vmem>>, vector<128x128xf32>,
    %slice3A_390 = vector.extract_strided_slice %get3A_1 {offsets = [0, 25088], sizes = [32, 512], strides = [1, 1]} : vector<32x65536xf32> to vector<32x512xf32>
    %reshape3A_391 = vector.shape_cast %slice3A_390 : vector<32x512xf32> to vector<32x4x128xf32>
    %transpose3A_392 = tpu.transpose %reshape3A_391, [1, 0, 2] : vector<32x4x128xf32> -> vector<4x32x128xf32>
    %reshape3A_393 = vector.shape_cast %transpose3A_392 : vector<4x32x128xf32> to vector<128x128xf32>
    %transpose3A_394 = tpu.transpose %reshape3A_393, [1, 0] : vector<128x128xf32> -> vector<128x128xf32>
    %swap3A_395 = arith.constant 6272 : index
    %swap3A_396 = arith.constant 0 : index
    %swap3A_397 = vector.load %arg2[%swap3A_395, %swap3A_396] : memref<16384x128xf32, #tpu.memory_space<vmem>>, vector<128x128xf32>
    tpu.vector_store %arg2[%swap3A_395, %swap3A_396], %transpose3A_394 {strides = array<i32>} : memref<16384x128xf32, #tpu.memory_space<vmem>>, vector<128x128xf32>,
    %slice3A_398 = vector.extract_strided_slice %get3A_1 {offsets = [0, 25600], sizes = [32, 512], strides = [1, 1]} : vector<32x65536xf32> to vector<32x512xf32>
    %reshape3A_399 = vector.shape_cast %slice3A_398 : vector<32x512xf32> to vector<32x4x128xf32>
    %transpose3A_400 = tpu.transpose %reshape3A_399, [1, 0, 2] : vector<32x4x128xf32> -> vector<4x32x128xf32>
    %reshape3A_401 = vector.shape_cast %transpose3A_400 : vector<4x32x128xf32> to vector<128x128xf32>
    %transpose3A_402 = tpu.transpose %reshape3A_401, [1, 0] : vector<128x128xf32> -> vector<128x128xf32>
    %swap3A_403 = arith.constant 6400 : index
    %swap3A_404 = arith.constant 0 : index
    %swap3A_405 = vector.load %arg2[%swap3A_403, %swap3A_404] : memref<16384x128xf32, #tpu.memory_space<vmem>>, vector<128x128xf32>
    tpu.vector_store %arg2[%swap3A_403, %swap3A_404], %transpose3A_402 {strides = array<i32>} : memref<16384x128xf32, #tpu.memory_space<vmem>>, vector<128x128xf32>,
    %slice3A_406 = vector.extract_strided_slice %get3A_1 {offsets = [0, 26112], sizes = [32, 512], strides = [1, 1]} : vector<32x65536xf32> to vector<32x512xf32>
    %reshape3A_407 = vector.shape_cast %slice3A_406 : vector<32x512xf32> to vector<32x4x128xf32>
    %transpose3A_408 = tpu.transpose %reshape3A_407, [1, 0, 2] : vector<32x4x128xf32> -> vector<4x32x128xf32>
    %reshape3A_409 = vector.shape_cast %transpose3A_408 : vector<4x32x128xf32> to vector<128x128xf32>
    %transpose3A_410 = tpu.transpose %reshape3A_409, [1, 0] : vector<128x128xf32> -> vector<128x128xf32>
    %swap3A_411 = arith.constant 6528 : index
    %swap3A_412 = arith.constant 0 : index
    %swap3A_413 = vector.load %arg2[%swap3A_411, %swap3A_412] : memref<16384x128xf32, #tpu.memory_space<vmem>>, vector<128x128xf32>
    tpu.vector_store %arg2[%swap3A_411, %swap3A_412], %transpose3A_410 {strides = array<i32>} : memref<16384x128xf32, #tpu.memory_space<vmem>>, vector<128x128xf32>,
    %slice3A_414 = vector.extract_strided_slice %get3A_1 {offsets = [0, 26624], sizes = [32, 512], strides = [1, 1]} : vector<32x65536xf32> to vector<32x512xf32>
    %reshape3A_415 = vector.shape_cast %slice3A_414 : vector<32x512xf32> to vector<32x4x128xf32>
    %transpose3A_416 = tpu.transpose %reshape3A_415, [1, 0, 2] : vector<32x4x128xf32> -> vector<4x32x128xf32>
    %reshape3A_417 = vector.shape_cast %transpose3A_416 : vector<4x32x128xf32> to vector<128x128xf32>
    %transpose3A_418 = tpu.transpose %reshape3A_417, [1, 0] : vector<128x128xf32> -> vector<128x128xf32>
    %swap3A_419 = arith.constant 6656 : index
    %swap3A_420 = arith.constant 0 : index
    %swap3A_421 = vector.load %arg2[%swap3A_419, %swap3A_420] : memref<16384x128xf32, #tpu.memory_space<vmem>>, vector<128x128xf32>
    tpu.vector_store %arg2[%swap3A_419, %swap3A_420], %transpose3A_418 {strides = array<i32>} : memref<16384x128xf32, #tpu.memory_space<vmem>>, vector<128x128xf32>,
    %slice3A_422 = vector.extract_strided_slice %get3A_1 {offsets = [0, 27136], sizes = [32, 512], strides = [1, 1]} : vector<32x65536xf32> to vector<32x512xf32>
    %reshape3A_423 = vector.shape_cast %slice3A_422 : vector<32x512xf32> to vector<32x4x128xf32>
    %transpose3A_424 = tpu.transpose %reshape3A_423, [1, 0, 2] : vector<32x4x128xf32> -> vector<4x32x128xf32>
    %reshape3A_425 = vector.shape_cast %transpose3A_424 : vector<4x32x128xf32> to vector<128x128xf32>
    %transpose3A_426 = tpu.transpose %reshape3A_425, [1, 0] : vector<128x128xf32> -> vector<128x128xf32>
    %swap3A_427 = arith.constant 6784 : index
    %swap3A_428 = arith.constant 0 : index
    %swap3A_429 = vector.load %arg2[%swap3A_427, %swap3A_428] : memref<16384x128xf32, #tpu.memory_space<vmem>>, vector<128x128xf32>
    tpu.vector_store %arg2[%swap3A_427, %swap3A_428], %transpose3A_426 {strides = array<i32>} : memref<16384x128xf32, #tpu.memory_space<vmem>>, vector<128x128xf32>,
    %slice3A_430 = vector.extract_strided_slice %get3A_1 {offsets = [0, 27648], sizes = [32, 512], strides = [1, 1]} : vector<32x65536xf32> to vector<32x512xf32>
    %reshape3A_431 = vector.shape_cast %slice3A_430 : vector<32x512xf32> to vector<32x4x128xf32>
    %transpose3A_432 = tpu.transpose %reshape3A_431, [1, 0, 2] : vector<32x4x128xf32> -> vector<4x32x128xf32>
    %reshape3A_433 = vector.shape_cast %transpose3A_432 : vector<4x32x128xf32> to vector<128x128xf32>
    %transpose3A_434 = tpu.transpose %reshape3A_433, [1, 0] : vector<128x128xf32> -> vector<128x128xf32>
    %swap3A_435 = arith.constant 6912 : index
    %swap3A_436 = arith.constant 0 : index
    %swap3A_437 = vector.load %arg2[%swap3A_435, %swap3A_436] : memref<16384x128xf32, #tpu.memory_space<vmem>>, vector<128x128xf32>
    tpu.vector_store %arg2[%swap3A_435, %swap3A_436], %transpose3A_434 {strides = array<i32>} : memref<16384x128xf32, #tpu.memory_space<vmem>>, vector<128x128xf32>,
    %slice3A_438 = vector.extract_strided_slice %get3A_1 {offsets = [0, 28160], sizes = [32, 512], strides = [1, 1]} : vector<32x65536xf32> to vector<32x512xf32>
    %reshape3A_439 = vector.shape_cast %slice3A_438 : vector<32x512xf32> to vector<32x4x128xf32>
    %transpose3A_440 = tpu.transpose %reshape3A_439, [1, 0, 2] : vector<32x4x128xf32> -> vector<4x32x128xf32>
    %reshape3A_441 = vector.shape_cast %transpose3A_440 : vector<4x32x128xf32> to vector<128x128xf32>
    %transpose3A_442 = tpu.transpose %reshape3A_441, [1, 0] : vector<128x128xf32> -> vector<128x128xf32>
    %swap3A_443 = arith.constant 7040 : index
    %swap3A_444 = arith.constant 0 : index
    %swap3A_445 = vector.load %arg2[%swap3A_443, %swap3A_444] : memref<16384x128xf32, #tpu.memory_space<vmem>>, vector<128x128xf32>
    tpu.vector_store %arg2[%swap3A_443, %swap3A_444], %transpose3A_442 {strides = array<i32>} : memref<16384x128xf32, #tpu.memory_space<vmem>>, vector<128x128xf32>,
    %slice3A_446 = vector.extract_strided_slice %get3A_1 {offsets = [0, 28672], sizes = [32, 512], strides = [1, 1]} : vector<32x65536xf32> to vector<32x512xf32>
    %reshape3A_447 = vector.shape_cast %slice3A_446 : vector<32x512xf32> to vector<32x4x128xf32>
    %transpose3A_448 = tpu.transpose %reshape3A_447, [1, 0, 2] : vector<32x4x128xf32> -> vector<4x32x128xf32>
    %reshape3A_449 = vector.shape_cast %transpose3A_448 : vector<4x32x128xf32> to vector<128x128xf32>
    %transpose3A_450 = tpu.transpose %reshape3A_449, [1, 0] : vector<128x128xf32> -> vector<128x128xf32>
    %swap3A_451 = arith.constant 7168 : index
    %swap3A_452 = arith.constant 0 : index
    %swap3A_453 = vector.load %arg2[%swap3A_451, %swap3A_452] : memref<16384x128xf32, #tpu.memory_space<vmem>>, vector<128x128xf32>
    tpu.vector_store %arg2[%swap3A_451, %swap3A_452], %transpose3A_450 {strides = array<i32>} : memref<16384x128xf32, #tpu.memory_space<vmem>>, vector<128x128xf32>,
    %slice3A_454 = vector.extract_strided_slice %get3A_1 {offsets = [0, 29184], sizes = [32, 512], strides = [1, 1]} : vector<32x65536xf32> to vector<32x512xf32>
    %reshape3A_455 = vector.shape_cast %slice3A_454 : vector<32x512xf32> to vector<32x4x128xf32>
    %transpose3A_456 = tpu.transpose %reshape3A_455, [1, 0, 2] : vector<32x4x128xf32> -> vector<4x32x128xf32>
    %reshape3A_457 = vector.shape_cast %transpose3A_456 : vector<4x32x128xf32> to vector<128x128xf32>
    %transpose3A_458 = tpu.transpose %reshape3A_457, [1, 0] : vector<128x128xf32> -> vector<128x128xf32>
    %swap3A_459 = arith.constant 7296 : index
    %swap3A_460 = arith.constant 0 : index
    %swap3A_461 = vector.load %arg2[%swap3A_459, %swap3A_460] : memref<16384x128xf32, #tpu.memory_space<vmem>>, vector<128x128xf32>
    tpu.vector_store %arg2[%swap3A_459, %swap3A_460], %transpose3A_458 {strides = array<i32>} : memref<16384x128xf32, #tpu.memory_space<vmem>>, vector<128x128xf32>,
    %slice3A_462 = vector.extract_strided_slice %get3A_1 {offsets = [0, 29696], sizes = [32, 512], strides = [1, 1]} : vector<32x65536xf32> to vector<32x512xf32>
    %reshape3A_463 = vector.shape_cast %slice3A_462 : vector<32x512xf32> to vector<32x4x128xf32>
    %transpose3A_464 = tpu.transpose %reshape3A_463, [1, 0, 2] : vector<32x4x128xf32> -> vector<4x32x128xf32>
    %reshape3A_465 = vector.shape_cast %transpose3A_464 : vector<4x32x128xf32> to vector<128x128xf32>
    %transpose3A_466 = tpu.transpose %reshape3A_465, [1, 0] : vector<128x128xf32> -> vector<128x128xf32>
    %swap3A_467 = arith.constant 7424 : index
    %swap3A_468 = arith.constant 0 : index
    %swap3A_469 = vector.load %arg2[%swap3A_467, %swap3A_468] : memref<16384x128xf32, #tpu.memory_space<vmem>>, vector<128x128xf32>
    tpu.vector_store %arg2[%swap3A_467, %swap3A_468], %transpose3A_466 {strides = array<i32>} : memref<16384x128xf32, #tpu.memory_space<vmem>>, vector<128x128xf32>,
    %slice3A_470 = vector.extract_strided_slice %get3A_1 {offsets = [0, 30208], sizes = [32, 512], strides = [1, 1]} : vector<32x65536xf32> to vector<32x512xf32>
    %reshape3A_471 = vector.shape_cast %slice3A_470 : vector<32x512xf32> to vector<32x4x128xf32>
    %transpose3A_472 = tpu.transpose %reshape3A_471, [1, 0, 2] : vector<32x4x128xf32> -> vector<4x32x128xf32>
    %reshape3A_473 = vector.shape_cast %transpose3A_472 : vector<4x32x128xf32> to vector<128x128xf32>
    %transpose3A_474 = tpu.transpose %reshape3A_473, [1, 0] : vector<128x128xf32> -> vector<128x128xf32>
    %swap3A_475 = arith.constant 7552 : index
    %swap3A_476 = arith.constant 0 : index
    %swap3A_477 = vector.load %arg2[%swap3A_475, %swap3A_476] : memref<16384x128xf32, #tpu.memory_space<vmem>>, vector<128x128xf32>
    tpu.vector_store %arg2[%swap3A_475, %swap3A_476], %transpose3A_474 {strides = array<i32>} : memref<16384x128xf32, #tpu.memory_space<vmem>>, vector<128x128xf32>,
    %slice3A_478 = vector.extract_strided_slice %get3A_1 {offsets = [0, 30720], sizes = [32, 512], strides = [1, 1]} : vector<32x65536xf32> to vector<32x512xf32>
    %reshape3A_479 = vector.shape_cast %slice3A_478 : vector<32x512xf32> to vector<32x4x128xf32>
    %transpose3A_480 = tpu.transpose %reshape3A_479, [1, 0, 2] : vector<32x4x128xf32> -> vector<4x32x128xf32>
    %reshape3A_481 = vector.shape_cast %transpose3A_480 : vector<4x32x128xf32> to vector<128x128xf32>
    %transpose3A_482 = tpu.transpose %reshape3A_481, [1, 0] : vector<128x128xf32> -> vector<128x128xf32>
    %swap3A_483 = arith.constant 7680 : index
    %swap3A_484 = arith.constant 0 : index
    %swap3A_485 = vector.load %arg2[%swap3A_483, %swap3A_484] : memref<16384x128xf32, #tpu.memory_space<vmem>>, vector<128x128xf32>
    tpu.vector_store %arg2[%swap3A_483, %swap3A_484], %transpose3A_482 {strides = array<i32>} : memref<16384x128xf32, #tpu.memory_space<vmem>>, vector<128x128xf32>,
    %slice3A_486 = vector.extract_strided_slice %get3A_1 {offsets = [0, 31232], sizes = [32, 512], strides = [1, 1]} : vector<32x65536xf32> to vector<32x512xf32>
    %reshape3A_487 = vector.shape_cast %slice3A_486 : vector<32x512xf32> to vector<32x4x128xf32>
    %transpose3A_488 = tpu.transpose %reshape3A_487, [1, 0, 2] : vector<32x4x128xf32> -> vector<4x32x128xf32>
    %reshape3A_489 = vector.shape_cast %transpose3A_488 : vector<4x32x128xf32> to vector<128x128xf32>
    %transpose3A_490 = tpu.transpose %reshape3A_489, [1, 0] : vector<128x128xf32> -> vector<128x128xf32>
    %swap3A_491 = arith.constant 7808 : index
    %swap3A_492 = arith.constant 0 : index
    %swap3A_493 = vector.load %arg2[%swap3A_491, %swap3A_492] : memref<16384x128xf32, #tpu.memory_space<vmem>>, vector<128x128xf32>
    tpu.vector_store %arg2[%swap3A_491, %swap3A_492], %transpose3A_490 {strides = array<i32>} : memref<16384x128xf32, #tpu.memory_space<vmem>>, vector<128x128xf32>,
    %slice3A_494 = vector.extract_strided_slice %get3A_1 {offsets = [0, 31744], sizes = [32, 512], strides = [1, 1]} : vector<32x65536xf32> to vector<32x512xf32>
    %reshape3A_495 = vector.shape_cast %slice3A_494 : vector<32x512xf32> to vector<32x4x128xf32>
    %transpose3A_496 = tpu.transpose %reshape3A_495, [1, 0, 2] : vector<32x4x128xf32> -> vector<4x32x128xf32>
    %reshape3A_497 = vector.shape_cast %transpose3A_496 : vector<4x32x128xf32> to vector<128x128xf32>
    %transpose3A_498 = tpu.transpose %reshape3A_497, [1, 0] : vector<128x128xf32> -> vector<128x128xf32>
    %swap3A_499 = arith.constant 7936 : index
    %swap3A_500 = arith.constant 0 : index
    %swap3A_501 = vector.load %arg2[%swap3A_499, %swap3A_500] : memref<16384x128xf32, #tpu.memory_space<vmem>>, vector<128x128xf32>
    tpu.vector_store %arg2[%swap3A_499, %swap3A_500], %transpose3A_498 {strides = array<i32>} : memref<16384x128xf32, #tpu.memory_space<vmem>>, vector<128x128xf32>,
    %slice3A_502 = vector.extract_strided_slice %get3A_1 {offsets = [0, 32256], sizes = [32, 512], strides = [1, 1]} : vector<32x65536xf32> to vector<32x512xf32>
    %reshape3A_503 = vector.shape_cast %slice3A_502 : vector<32x512xf32> to vector<32x4x128xf32>
    %transpose3A_504 = tpu.transpose %reshape3A_503, [1, 0, 2] : vector<32x4x128xf32> -> vector<4x32x128xf32>
    %reshape3A_505 = vector.shape_cast %transpose3A_504 : vector<4x32x128xf32> to vector<128x128xf32>
    %transpose3A_506 = tpu.transpose %reshape3A_505, [1, 0] : vector<128x128xf32> -> vector<128x128xf32>
    %swap3A_507 = arith.constant 8064 : index
    %swap3A_508 = arith.constant 0 : index
    %swap3A_509 = vector.load %arg2[%swap3A_507, %swap3A_508] : memref<16384x128xf32, #tpu.memory_space<vmem>>, vector<128x128xf32>
    tpu.vector_store %arg2[%swap3A_507, %swap3A_508], %transpose3A_506 {strides = array<i32>} : memref<16384x128xf32, #tpu.memory_space<vmem>>, vector<128x128xf32>,
    %slice3A_510 = vector.extract_strided_slice %get3A_1 {offsets = [0, 32768], sizes = [32, 512], strides = [1, 1]} : vector<32x65536xf32> to vector<32x512xf32>
    %reshape3A_511 = vector.shape_cast %slice3A_510 : vector<32x512xf32> to vector<32x4x128xf32>
    %transpose3A_512 = tpu.transpose %reshape3A_511, [1, 0, 2] : vector<32x4x128xf32> -> vector<4x32x128xf32>
    %reshape3A_513 = vector.shape_cast %transpose3A_512 : vector<4x32x128xf32> to vector<128x128xf32>
    %transpose3A_514 = tpu.transpose %reshape3A_513, [1, 0] : vector<128x128xf32> -> vector<128x128xf32>
    %swap3A_515 = arith.constant 8192 : index
    %swap3A_516 = arith.constant 0 : index
    %swap3A_517 = vector.load %arg2[%swap3A_515, %swap3A_516] : memref<16384x128xf32, #tpu.memory_space<vmem>>, vector<128x128xf32>
    tpu.vector_store %arg2[%swap3A_515, %swap3A_516], %transpose3A_514 {strides = array<i32>} : memref<16384x128xf32, #tpu.memory_space<vmem>>, vector<128x128xf32>,
    %slice3A_518 = vector.extract_strided_slice %get3A_1 {offsets = [0, 33280], sizes = [32, 512], strides = [1, 1]} : vector<32x65536xf32> to vector<32x512xf32>
    %reshape3A_519 = vector.shape_cast %slice3A_518 : vector<32x512xf32> to vector<32x4x128xf32>
    %transpose3A_520 = tpu.transpose %reshape3A_519, [1, 0, 2] : vector<32x4x128xf32> -> vector<4x32x128xf32>
    %reshape3A_521 = vector.shape_cast %transpose3A_520 : vector<4x32x128xf32> to vector<128x128xf32>
    %transpose3A_522 = tpu.transpose %reshape3A_521, [1, 0] : vector<128x128xf32> -> vector<128x128xf32>
    %swap3A_523 = arith.constant 8320 : index
    %swap3A_524 = arith.constant 0 : index
    %swap3A_525 = vector.load %arg2[%swap3A_523, %swap3A_524] : memref<16384x128xf32, #tpu.memory_space<vmem>>, vector<128x128xf32>
    tpu.vector_store %arg2[%swap3A_523, %swap3A_524], %transpose3A_522 {strides = array<i32>} : memref<16384x128xf32, #tpu.memory_space<vmem>>, vector<128x128xf32>,
    %slice3A_526 = vector.extract_strided_slice %get3A_1 {offsets = [0, 33792], sizes = [32, 512], strides = [1, 1]} : vector<32x65536xf32> to vector<32x512xf32>
    %reshape3A_527 = vector.shape_cast %slice3A_526 : vector<32x512xf32> to vector<32x4x128xf32>
    %transpose3A_528 = tpu.transpose %reshape3A_527, [1, 0, 2] : vector<32x4x128xf32> -> vector<4x32x128xf32>
    %reshape3A_529 = vector.shape_cast %transpose3A_528 : vector<4x32x128xf32> to vector<128x128xf32>
    %transpose3A_530 = tpu.transpose %reshape3A_529, [1, 0] : vector<128x128xf32> -> vector<128x128xf32>
    %swap3A_531 = arith.constant 8448 : index
    %swap3A_532 = arith.constant 0 : index
    %swap3A_533 = vector.load %arg2[%swap3A_531, %swap3A_532] : memref<16384x128xf32, #tpu.memory_space<vmem>>, vector<128x128xf32>
    tpu.vector_store %arg2[%swap3A_531, %swap3A_532], %transpose3A_530 {strides = array<i32>} : memref<16384x128xf32, #tpu.memory_space<vmem>>, vector<128x128xf32>,
    %slice3A_534 = vector.extract_strided_slice %get3A_1 {offsets = [0, 34304], sizes = [32, 512], strides = [1, 1]} : vector<32x65536xf32> to vector<32x512xf32>
    %reshape3A_535 = vector.shape_cast %slice3A_534 : vector<32x512xf32> to vector<32x4x128xf32>
    %transpose3A_536 = tpu.transpose %reshape3A_535, [1, 0, 2] : vector<32x4x128xf32> -> vector<4x32x128xf32>
    %reshape3A_537 = vector.shape_cast %transpose3A_536 : vector<4x32x128xf32> to vector<128x128xf32>
    %transpose3A_538 = tpu.transpose %reshape3A_537, [1, 0] : vector<128x128xf32> -> vector<128x128xf32>
    %swap3A_539 = arith.constant 8576 : index
    %swap3A_540 = arith.constant 0 : index
    %swap3A_541 = vector.load %arg2[%swap3A_539, %swap3A_540] : memref<16384x128xf32, #tpu.memory_space<vmem>>, vector<128x128xf32>
    tpu.vector_store %arg2[%swap3A_539, %swap3A_540], %transpose3A_538 {strides = array<i32>} : memref<16384x128xf32, #tpu.memory_space<vmem>>, vector<128x128xf32>,
    %slice3A_542 = vector.extract_strided_slice %get3A_1 {offsets = [0, 34816], sizes = [32, 512], strides = [1, 1]} : vector<32x65536xf32> to vector<32x512xf32>
    %reshape3A_543 = vector.shape_cast %slice3A_542 : vector<32x512xf32> to vector<32x4x128xf32>
    %transpose3A_544 = tpu.transpose %reshape3A_543, [1, 0, 2] : vector<32x4x128xf32> -> vector<4x32x128xf32>
    %reshape3A_545 = vector.shape_cast %transpose3A_544 : vector<4x32x128xf32> to vector<128x128xf32>
    %transpose3A_546 = tpu.transpose %reshape3A_545, [1, 0] : vector<128x128xf32> -> vector<128x128xf32>
    %swap3A_547 = arith.constant 8704 : index
    %swap3A_548 = arith.constant 0 : index
    %swap3A_549 = vector.load %arg2[%swap3A_547, %swap3A_548] : memref<16384x128xf32, #tpu.memory_space<vmem>>, vector<128x128xf32>
    tpu.vector_store %arg2[%swap3A_547, %swap3A_548], %transpose3A_546 {strides = array<i32>} : memref<16384x128xf32, #tpu.memory_space<vmem>>, vector<128x128xf32>,
    %slice3A_550 = vector.extract_strided_slice %get3A_1 {offsets = [0, 35328], sizes = [32, 512], strides = [1, 1]} : vector<32x65536xf32> to vector<32x512xf32>
    %reshape3A_551 = vector.shape_cast %slice3A_550 : vector<32x512xf32> to vector<32x4x128xf32>
    %transpose3A_552 = tpu.transpose %reshape3A_551, [1, 0, 2] : vector<32x4x128xf32> -> vector<4x32x128xf32>
    %reshape3A_553 = vector.shape_cast %transpose3A_552 : vector<4x32x128xf32> to vector<128x128xf32>
    %transpose3A_554 = tpu.transpose %reshape3A_553, [1, 0] : vector<128x128xf32> -> vector<128x128xf32>
    %swap3A_555 = arith.constant 8832 : index
    %swap3A_556 = arith.constant 0 : index
    %swap3A_557 = vector.load %arg2[%swap3A_555, %swap3A_556] : memref<16384x128xf32, #tpu.memory_space<vmem>>, vector<128x128xf32>
    tpu.vector_store %arg2[%swap3A_555, %swap3A_556], %transpose3A_554 {strides = array<i32>} : memref<16384x128xf32, #tpu.memory_space<vmem>>, vector<128x128xf32>,
    %slice3A_558 = vector.extract_strided_slice %get3A_1 {offsets = [0, 35840], sizes = [32, 512], strides = [1, 1]} : vector<32x65536xf32> to vector<32x512xf32>
    %reshape3A_559 = vector.shape_cast %slice3A_558 : vector<32x512xf32> to vector<32x4x128xf32>
    %transpose3A_560 = tpu.transpose %reshape3A_559, [1, 0, 2] : vector<32x4x128xf32> -> vector<4x32x128xf32>
    %reshape3A_561 = vector.shape_cast %transpose3A_560 : vector<4x32x128xf32> to vector<128x128xf32>
    %transpose3A_562 = tpu.transpose %reshape3A_561, [1, 0] : vector<128x128xf32> -> vector<128x128xf32>
    %swap3A_563 = arith.constant 8960 : index
    %swap3A_564 = arith.constant 0 : index
    %swap3A_565 = vector.load %arg2[%swap3A_563, %swap3A_564] : memref<16384x128xf32, #tpu.memory_space<vmem>>, vector<128x128xf32>
    tpu.vector_store %arg2[%swap3A_563, %swap3A_564], %transpose3A_562 {strides = array<i32>} : memref<16384x128xf32, #tpu.memory_space<vmem>>, vector<128x128xf32>,
    %slice3A_566 = vector.extract_strided_slice %get3A_1 {offsets = [0, 36352], sizes = [32, 512], strides = [1, 1]} : vector<32x65536xf32> to vector<32x512xf32>
    %reshape3A_567 = vector.shape_cast %slice3A_566 : vector<32x512xf32> to vector<32x4x128xf32>
    %transpose3A_568 = tpu.transpose %reshape3A_567, [1, 0, 2] : vector<32x4x128xf32> -> vector<4x32x128xf32>
    %reshape3A_569 = vector.shape_cast %transpose3A_568 : vector<4x32x128xf32> to vector<128x128xf32>
    %transpose3A_570 = tpu.transpose %reshape3A_569, [1, 0] : vector<128x128xf32> -> vector<128x128xf32>
    %swap3A_571 = arith.constant 9088 : index
    %swap3A_572 = arith.constant 0 : index
    %swap3A_573 = vector.load %arg2[%swap3A_571, %swap3A_572] : memref<16384x128xf32, #tpu.memory_space<vmem>>, vector<128x128xf32>
    tpu.vector_store %arg2[%swap3A_571, %swap3A_572], %transpose3A_570 {strides = array<i32>} : memref<16384x128xf32, #tpu.memory_space<vmem>>, vector<128x128xf32>,
    %slice3A_574 = vector.extract_strided_slice %get3A_1 {offsets = [0, 36864], sizes = [32, 512], strides = [1, 1]} : vector<32x65536xf32> to vector<32x512xf32>
    %reshape3A_575 = vector.shape_cast %slice3A_574 : vector<32x512xf32> to vector<32x4x128xf32>
    %transpose3A_576 = tpu.transpose %reshape3A_575, [1, 0, 2] : vector<32x4x128xf32> -> vector<4x32x128xf32>
    %reshape3A_577 = vector.shape_cast %transpose3A_576 : vector<4x32x128xf32> to vector<128x128xf32>
    %transpose3A_578 = tpu.transpose %reshape3A_577, [1, 0] : vector<128x128xf32> -> vector<128x128xf32>
    %swap3A_579 = arith.constant 9216 : index
    %swap3A_580 = arith.constant 0 : index
    %swap3A_581 = vector.load %arg2[%swap3A_579, %swap3A_580] : memref<16384x128xf32, #tpu.memory_space<vmem>>, vector<128x128xf32>
    tpu.vector_store %arg2[%swap3A_579, %swap3A_580], %transpose3A_578 {strides = array<i32>} : memref<16384x128xf32, #tpu.memory_space<vmem>>, vector<128x128xf32>,
    %slice3A_582 = vector.extract_strided_slice %get3A_1 {offsets = [0, 37376], sizes = [32, 512], strides = [1, 1]} : vector<32x65536xf32> to vector<32x512xf32>
    %reshape3A_583 = vector.shape_cast %slice3A_582 : vector<32x512xf32> to vector<32x4x128xf32>
    %transpose3A_584 = tpu.transpose %reshape3A_583, [1, 0, 2] : vector<32x4x128xf32> -> vector<4x32x128xf32>
    %reshape3A_585 = vector.shape_cast %transpose3A_584 : vector<4x32x128xf32> to vector<128x128xf32>
    %transpose3A_586 = tpu.transpose %reshape3A_585, [1, 0] : vector<128x128xf32> -> vector<128x128xf32>
    %swap3A_587 = arith.constant 9344 : index
    %swap3A_588 = arith.constant 0 : index
    %swap3A_589 = vector.load %arg2[%swap3A_587, %swap3A_588] : memref<16384x128xf32, #tpu.memory_space<vmem>>, vector<128x128xf32>
    tpu.vector_store %arg2[%swap3A_587, %swap3A_588], %transpose3A_586 {strides = array<i32>} : memref<16384x128xf32, #tpu.memory_space<vmem>>, vector<128x128xf32>,
    %slice3A_590 = vector.extract_strided_slice %get3A_1 {offsets = [0, 37888], sizes = [32, 512], strides = [1, 1]} : vector<32x65536xf32> to vector<32x512xf32>
    %reshape3A_591 = vector.shape_cast %slice3A_590 : vector<32x512xf32> to vector<32x4x128xf32>
    %transpose3A_592 = tpu.transpose %reshape3A_591, [1, 0, 2] : vector<32x4x128xf32> -> vector<4x32x128xf32>
    %reshape3A_593 = vector.shape_cast %transpose3A_592 : vector<4x32x128xf32> to vector<128x128xf32>
    %transpose3A_594 = tpu.transpose %reshape3A_593, [1, 0] : vector<128x128xf32> -> vector<128x128xf32>
    %swap3A_595 = arith.constant 9472 : index
    %swap3A_596 = arith.constant 0 : index
    %swap3A_597 = vector.load %arg2[%swap3A_595, %swap3A_596] : memref<16384x128xf32, #tpu.memory_space<vmem>>, vector<128x128xf32>
    tpu.vector_store %arg2[%swap3A_595, %swap3A_596], %transpose3A_594 {strides = array<i32>} : memref<16384x128xf32, #tpu.memory_space<vmem>>, vector<128x128xf32>,
    %slice3A_598 = vector.extract_strided_slice %get3A_1 {offsets = [0, 38400], sizes = [32, 512], strides = [1, 1]} : vector<32x65536xf32> to vector<32x512xf32>
    %reshape3A_599 = vector.shape_cast %slice3A_598 : vector<32x512xf32> to vector<32x4x128xf32>
    %transpose3A_600 = tpu.transpose %reshape3A_599, [1, 0, 2] : vector<32x4x128xf32> -> vector<4x32x128xf32>
    %reshape3A_601 = vector.shape_cast %transpose3A_600 : vector<4x32x128xf32> to vector<128x128xf32>
    %transpose3A_602 = tpu.transpose %reshape3A_601, [1, 0] : vector<128x128xf32> -> vector<128x128xf32>
    %swap3A_603 = arith.constant 9600 : index
    %swap3A_604 = arith.constant 0 : index
    %swap3A_605 = vector.load %arg2[%swap3A_603, %swap3A_604] : memref<16384x128xf32, #tpu.memory_space<vmem>>, vector<128x128xf32>
    tpu.vector_store %arg2[%swap3A_603, %swap3A_604], %transpose3A_602 {strides = array<i32>} : memref<16384x128xf32, #tpu.memory_space<vmem>>, vector<128x128xf32>,
    %slice3A_606 = vector.extract_strided_slice %get3A_1 {offsets = [0, 38912], sizes = [32, 512], strides = [1, 1]} : vector<32x65536xf32> to vector<32x512xf32>
    %reshape3A_607 = vector.shape_cast %slice3A_606 : vector<32x512xf32> to vector<32x4x128xf32>
    %transpose3A_608 = tpu.transpose %reshape3A_607, [1, 0, 2] : vector<32x4x128xf32> -> vector<4x32x128xf32>
    %reshape3A_609 = vector.shape_cast %transpose3A_608 : vector<4x32x128xf32> to vector<128x128xf32>
    %transpose3A_610 = tpu.transpose %reshape3A_609, [1, 0] : vector<128x128xf32> -> vector<128x128xf32>
    %swap3A_611 = arith.constant 9728 : index
    %swap3A_612 = arith.constant 0 : index
    %swap3A_613 = vector.load %arg2[%swap3A_611, %swap3A_612] : memref<16384x128xf32, #tpu.memory_space<vmem>>, vector<128x128xf32>
    tpu.vector_store %arg2[%swap3A_611, %swap3A_612], %transpose3A_610 {strides = array<i32>} : memref<16384x128xf32, #tpu.memory_space<vmem>>, vector<128x128xf32>,
    %slice3A_614 = vector.extract_strided_slice %get3A_1 {offsets = [0, 39424], sizes = [32, 512], strides = [1, 1]} : vector<32x65536xf32> to vector<32x512xf32>
    %reshape3A_615 = vector.shape_cast %slice3A_614 : vector<32x512xf32> to vector<32x4x128xf32>
    %transpose3A_616 = tpu.transpose %reshape3A_615, [1, 0, 2] : vector<32x4x128xf32> -> vector<4x32x128xf32>
    %reshape3A_617 = vector.shape_cast %transpose3A_616 : vector<4x32x128xf32> to vector<128x128xf32>
    %transpose3A_618 = tpu.transpose %reshape3A_617, [1, 0] : vector<128x128xf32> -> vector<128x128xf32>
    %swap3A_619 = arith.constant 9856 : index
    %swap3A_620 = arith.constant 0 : index
    %swap3A_621 = vector.load %arg2[%swap3A_619, %swap3A_620] : memref<16384x128xf32, #tpu.memory_space<vmem>>, vector<128x128xf32>
    tpu.vector_store %arg2[%swap3A_619, %swap3A_620], %transpose3A_618 {strides = array<i32>} : memref<16384x128xf32, #tpu.memory_space<vmem>>, vector<128x128xf32>,
    %slice3A_622 = vector.extract_strided_slice %get3A_1 {offsets = [0, 39936], sizes = [32, 512], strides = [1, 1]} : vector<32x65536xf32> to vector<32x512xf32>
    %reshape3A_623 = vector.shape_cast %slice3A_622 : vector<32x512xf32> to vector<32x4x128xf32>
    %transpose3A_624 = tpu.transpose %reshape3A_623, [1, 0, 2] : vector<32x4x128xf32> -> vector<4x32x128xf32>
    %reshape3A_625 = vector.shape_cast %transpose3A_624 : vector<4x32x128xf32> to vector<128x128xf32>
    %transpose3A_626 = tpu.transpose %reshape3A_625, [1, 0] : vector<128x128xf32> -> vector<128x128xf32>
    %swap3A_627 = arith.constant 9984 : index
    %swap3A_628 = arith.constant 0 : index
    %swap3A_629 = vector.load %arg2[%swap3A_627, %swap3A_628] : memref<16384x128xf32, #tpu.memory_space<vmem>>, vector<128x128xf32>
    tpu.vector_store %arg2[%swap3A_627, %swap3A_628], %transpose3A_626 {strides = array<i32>} : memref<16384x128xf32, #tpu.memory_space<vmem>>, vector<128x128xf32>,
    %slice3A_630 = vector.extract_strided_slice %get3A_1 {offsets = [0, 40448], sizes = [32, 512], strides = [1, 1]} : vector<32x65536xf32> to vector<32x512xf32>
    %reshape3A_631 = vector.shape_cast %slice3A_630 : vector<32x512xf32> to vector<32x4x128xf32>
    %transpose3A_632 = tpu.transpose %reshape3A_631, [1, 0, 2] : vector<32x4x128xf32> -> vector<4x32x128xf32>
    %reshape3A_633 = vector.shape_cast %transpose3A_632 : vector<4x32x128xf32> to vector<128x128xf32>
    %transpose3A_634 = tpu.transpose %reshape3A_633, [1, 0] : vector<128x128xf32> -> vector<128x128xf32>
    %swap3A_635 = arith.constant 10112 : index
    %swap3A_636 = arith.constant 0 : index
    %swap3A_637 = vector.load %arg2[%swap3A_635, %swap3A_636] : memref<16384x128xf32, #tpu.memory_space<vmem>>, vector<128x128xf32>
    tpu.vector_store %arg2[%swap3A_635, %swap3A_636], %transpose3A_634 {strides = array<i32>} : memref<16384x128xf32, #tpu.memory_space<vmem>>, vector<128x128xf32>,
    %slice3A_638 = vector.extract_strided_slice %get3A_1 {offsets = [0, 40960], sizes = [32, 512], strides = [1, 1]} : vector<32x65536xf32> to vector<32x512xf32>
    %reshape3A_639 = vector.shape_cast %slice3A_638 : vector<32x512xf32> to vector<32x4x128xf32>
    %transpose3A_640 = tpu.transpose %reshape3A_639, [1, 0, 2] : vector<32x4x128xf32> -> vector<4x32x128xf32>
    %reshape3A_641 = vector.shape_cast %transpose3A_640 : vector<4x32x128xf32> to vector<128x128xf32>
    %transpose3A_642 = tpu.transpose %reshape3A_641, [1, 0] : vector<128x128xf32> -> vector<128x128xf32>
    %swap3A_643 = arith.constant 10240 : index
    %swap3A_644 = arith.constant 0 : index
    %swap3A_645 = vector.load %arg2[%swap3A_643, %swap3A_644] : memref<16384x128xf32, #tpu.memory_space<vmem>>, vector<128x128xf32>
    tpu.vector_store %arg2[%swap3A_643, %swap3A_644], %transpose3A_642 {strides = array<i32>} : memref<16384x128xf32, #tpu.memory_space<vmem>>, vector<128x128xf32>,
    %slice3A_646 = vector.extract_strided_slice %get3A_1 {offsets = [0, 41472], sizes = [32, 512], strides = [1, 1]} : vector<32x65536xf32> to vector<32x512xf32>
    %reshape3A_647 = vector.shape_cast %slice3A_646 : vector<32x512xf32> to vector<32x4x128xf32>
    %transpose3A_648 = tpu.transpose %reshape3A_647, [1, 0, 2] : vector<32x4x128xf32> -> vector<4x32x128xf32>
    %reshape3A_649 = vector.shape_cast %transpose3A_648 : vector<4x32x128xf32> to vector<128x128xf32>
    %transpose3A_650 = tpu.transpose %reshape3A_649, [1, 0] : vector<128x128xf32> -> vector<128x128xf32>
    %swap3A_651 = arith.constant 10368 : index
    %swap3A_652 = arith.constant 0 : index
    %swap3A_653 = vector.load %arg2[%swap3A_651, %swap3A_652] : memref<16384x128xf32, #tpu.memory_space<vmem>>, vector<128x128xf32>
    tpu.vector_store %arg2[%swap3A_651, %swap3A_652], %transpose3A_650 {strides = array<i32>} : memref<16384x128xf32, #tpu.memory_space<vmem>>, vector<128x128xf32>,
    %slice3A_654 = vector.extract_strided_slice %get3A_1 {offsets = [0, 41984], sizes = [32, 512], strides = [1, 1]} : vector<32x65536xf32> to vector<32x512xf32>
    %reshape3A_655 = vector.shape_cast %slice3A_654 : vector<32x512xf32> to vector<32x4x128xf32>
    %transpose3A_656 = tpu.transpose %reshape3A_655, [1, 0, 2] : vector<32x4x128xf32> -> vector<4x32x128xf32>
    %reshape3A_657 = vector.shape_cast %transpose3A_656 : vector<4x32x128xf32> to vector<128x128xf32>
    %transpose3A_658 = tpu.transpose %reshape3A_657, [1, 0] : vector<128x128xf32> -> vector<128x128xf32>
    %swap3A_659 = arith.constant 10496 : index
    %swap3A_660 = arith.constant 0 : index
    %swap3A_661 = vector.load %arg2[%swap3A_659, %swap3A_660] : memref<16384x128xf32, #tpu.memory_space<vmem>>, vector<128x128xf32>
    tpu.vector_store %arg2[%swap3A_659, %swap3A_660], %transpose3A_658 {strides = array<i32>} : memref<16384x128xf32, #tpu.memory_space<vmem>>, vector<128x128xf32>,
    %slice3A_662 = vector.extract_strided_slice %get3A_1 {offsets = [0, 42496], sizes = [32, 512], strides = [1, 1]} : vector<32x65536xf32> to vector<32x512xf32>
    %reshape3A_663 = vector.shape_cast %slice3A_662 : vector<32x512xf32> to vector<32x4x128xf32>
    %transpose3A_664 = tpu.transpose %reshape3A_663, [1, 0, 2] : vector<32x4x128xf32> -> vector<4x32x128xf32>
    %reshape3A_665 = vector.shape_cast %transpose3A_664 : vector<4x32x128xf32> to vector<128x128xf32>
    %transpose3A_666 = tpu.transpose %reshape3A_665, [1, 0] : vector<128x128xf32> -> vector<128x128xf32>
    %swap3A_667 = arith.constant 10624 : index
    %swap3A_668 = arith.constant 0 : index
    %swap3A_669 = vector.load %arg2[%swap3A_667, %swap3A_668] : memref<16384x128xf32, #tpu.memory_space<vmem>>, vector<128x128xf32>
    tpu.vector_store %arg2[%swap3A_667, %swap3A_668], %transpose3A_666 {strides = array<i32>} : memref<16384x128xf32, #tpu.memory_space<vmem>>, vector<128x128xf32>,
    %slice3A_670 = vector.extract_strided_slice %get3A_1 {offsets = [0, 43008], sizes = [32, 512], strides = [1, 1]} : vector<32x65536xf32> to vector<32x512xf32>
    %reshape3A_671 = vector.shape_cast %slice3A_670 : vector<32x512xf32> to vector<32x4x128xf32>
    %transpose3A_672 = tpu.transpose %reshape3A_671, [1, 0, 2] : vector<32x4x128xf32> -> vector<4x32x128xf32>
    %reshape3A_673 = vector.shape_cast %transpose3A_672 : vector<4x32x128xf32> to vector<128x128xf32>
    %transpose3A_674 = tpu.transpose %reshape3A_673, [1, 0] : vector<128x128xf32> -> vector<128x128xf32>
    %swap3A_675 = arith.constant 10752 : index
    %swap3A_676 = arith.constant 0 : index
    %swap3A_677 = vector.load %arg2[%swap3A_675, %swap3A_676] : memref<16384x128xf32, #tpu.memory_space<vmem>>, vector<128x128xf32>
    tpu.vector_store %arg2[%swap3A_675, %swap3A_676], %transpose3A_674 {strides = array<i32>} : memref<16384x128xf32, #tpu.memory_space<vmem>>, vector<128x128xf32>,
    %slice3A_678 = vector.extract_strided_slice %get3A_1 {offsets = [0, 43520], sizes = [32, 512], strides = [1, 1]} : vector<32x65536xf32> to vector<32x512xf32>
    %reshape3A_679 = vector.shape_cast %slice3A_678 : vector<32x512xf32> to vector<32x4x128xf32>
    %transpose3A_680 = tpu.transpose %reshape3A_679, [1, 0, 2] : vector<32x4x128xf32> -> vector<4x32x128xf32>
    %reshape3A_681 = vector.shape_cast %transpose3A_680 : vector<4x32x128xf32> to vector<128x128xf32>
    %transpose3A_682 = tpu.transpose %reshape3A_681, [1, 0] : vector<128x128xf32> -> vector<128x128xf32>
    %swap3A_683 = arith.constant 10880 : index
    %swap3A_684 = arith.constant 0 : index
    %swap3A_685 = vector.load %arg2[%swap3A_683, %swap3A_684] : memref<16384x128xf32, #tpu.memory_space<vmem>>, vector<128x128xf32>
    tpu.vector_store %arg2[%swap3A_683, %swap3A_684], %transpose3A_682 {strides = array<i32>} : memref<16384x128xf32, #tpu.memory_space<vmem>>, vector<128x128xf32>,
    %slice3A_686 = vector.extract_strided_slice %get3A_1 {offsets = [0, 44032], sizes = [32, 512], strides = [1, 1]} : vector<32x65536xf32> to vector<32x512xf32>
    %reshape3A_687 = vector.shape_cast %slice3A_686 : vector<32x512xf32> to vector<32x4x128xf32>
    %transpose3A_688 = tpu.transpose %reshape3A_687, [1, 0, 2] : vector<32x4x128xf32> -> vector<4x32x128xf32>
    %reshape3A_689 = vector.shape_cast %transpose3A_688 : vector<4x32x128xf32> to vector<128x128xf32>
    %transpose3A_690 = tpu.transpose %reshape3A_689, [1, 0] : vector<128x128xf32> -> vector<128x128xf32>
    %swap3A_691 = arith.constant 11008 : index
    %swap3A_692 = arith.constant 0 : index
    %swap3A_693 = vector.load %arg2[%swap3A_691, %swap3A_692] : memref<16384x128xf32, #tpu.memory_space<vmem>>, vector<128x128xf32>
    tpu.vector_store %arg2[%swap3A_691, %swap3A_692], %transpose3A_690 {strides = array<i32>} : memref<16384x128xf32, #tpu.memory_space<vmem>>, vector<128x128xf32>,
    %slice3A_694 = vector.extract_strided_slice %get3A_1 {offsets = [0, 44544], sizes = [32, 512], strides = [1, 1]} : vector<32x65536xf32> to vector<32x512xf32>
    %reshape3A_695 = vector.shape_cast %slice3A_694 : vector<32x512xf32> to vector<32x4x128xf32>
    %transpose3A_696 = tpu.transpose %reshape3A_695, [1, 0, 2] : vector<32x4x128xf32> -> vector<4x32x128xf32>
    %reshape3A_697 = vector.shape_cast %transpose3A_696 : vector<4x32x128xf32> to vector<128x128xf32>
    %transpose3A_698 = tpu.transpose %reshape3A_697, [1, 0] : vector<128x128xf32> -> vector<128x128xf32>
    %swap3A_699 = arith.constant 11136 : index
    %swap3A_700 = arith.constant 0 : index
    %swap3A_701 = vector.load %arg2[%swap3A_699, %swap3A_700] : memref<16384x128xf32, #tpu.memory_space<vmem>>, vector<128x128xf32>
    tpu.vector_store %arg2[%swap3A_699, %swap3A_700], %transpose3A_698 {strides = array<i32>} : memref<16384x128xf32, #tpu.memory_space<vmem>>, vector<128x128xf32>,
    %slice3A_702 = vector.extract_strided_slice %get3A_1 {offsets = [0, 45056], sizes = [32, 512], strides = [1, 1]} : vector<32x65536xf32> to vector<32x512xf32>
    %reshape3A_703 = vector.shape_cast %slice3A_702 : vector<32x512xf32> to vector<32x4x128xf32>
    %transpose3A_704 = tpu.transpose %reshape3A_703, [1, 0, 2] : vector<32x4x128xf32> -> vector<4x32x128xf32>
    %reshape3A_705 = vector.shape_cast %transpose3A_704 : vector<4x32x128xf32> to vector<128x128xf32>
    %transpose3A_706 = tpu.transpose %reshape3A_705, [1, 0] : vector<128x128xf32> -> vector<128x128xf32>
    %swap3A_707 = arith.constant 11264 : index
    %swap3A_708 = arith.constant 0 : index
    %swap3A_709 = vector.load %arg2[%swap3A_707, %swap3A_708] : memref<16384x128xf32, #tpu.memory_space<vmem>>, vector<128x128xf32>
    tpu.vector_store %arg2[%swap3A_707, %swap3A_708], %transpose3A_706 {strides = array<i32>} : memref<16384x128xf32, #tpu.memory_space<vmem>>, vector<128x128xf32>,
    %slice3A_710 = vector.extract_strided_slice %get3A_1 {offsets = [0, 45568], sizes = [32, 512], strides = [1, 1]} : vector<32x65536xf32> to vector<32x512xf32>
    %reshape3A_711 = vector.shape_cast %slice3A_710 : vector<32x512xf32> to vector<32x4x128xf32>
    %transpose3A_712 = tpu.transpose %reshape3A_711, [1, 0, 2] : vector<32x4x128xf32> -> vector<4x32x128xf32>
    %reshape3A_713 = vector.shape_cast %transpose3A_712 : vector<4x32x128xf32> to vector<128x128xf32>
    %transpose3A_714 = tpu.transpose %reshape3A_713, [1, 0] : vector<128x128xf32> -> vector<128x128xf32>
    %swap3A_715 = arith.constant 11392 : index
    %swap3A_716 = arith.constant 0 : index
    %swap3A_717 = vector.load %arg2[%swap3A_715, %swap3A_716] : memref<16384x128xf32, #tpu.memory_space<vmem>>, vector<128x128xf32>
    tpu.vector_store %arg2[%swap3A_715, %swap3A_716], %transpose3A_714 {strides = array<i32>} : memref<16384x128xf32, #tpu.memory_space<vmem>>, vector<128x128xf32>,
    %slice3A_718 = vector.extract_strided_slice %get3A_1 {offsets = [0, 46080], sizes = [32, 512], strides = [1, 1]} : vector<32x65536xf32> to vector<32x512xf32>
    %reshape3A_719 = vector.shape_cast %slice3A_718 : vector<32x512xf32> to vector<32x4x128xf32>
    %transpose3A_720 = tpu.transpose %reshape3A_719, [1, 0, 2] : vector<32x4x128xf32> -> vector<4x32x128xf32>
    %reshape3A_721 = vector.shape_cast %transpose3A_720 : vector<4x32x128xf32> to vector<128x128xf32>
    %transpose3A_722 = tpu.transpose %reshape3A_721, [1, 0] : vector<128x128xf32> -> vector<128x128xf32>
    %swap3A_723 = arith.constant 11520 : index
    %swap3A_724 = arith.constant 0 : index
    %swap3A_725 = vector.load %arg2[%swap3A_723, %swap3A_724] : memref<16384x128xf32, #tpu.memory_space<vmem>>, vector<128x128xf32>
    tpu.vector_store %arg2[%swap3A_723, %swap3A_724], %transpose3A_722 {strides = array<i32>} : memref<16384x128xf32, #tpu.memory_space<vmem>>, vector<128x128xf32>,
    %slice3A_726 = vector.extract_strided_slice %get3A_1 {offsets = [0, 46592], sizes = [32, 512], strides = [1, 1]} : vector<32x65536xf32> to vector<32x512xf32>
    %reshape3A_727 = vector.shape_cast %slice3A_726 : vector<32x512xf32> to vector<32x4x128xf32>
    %transpose3A_728 = tpu.transpose %reshape3A_727, [1, 0, 2] : vector<32x4x128xf32> -> vector<4x32x128xf32>
    %reshape3A_729 = vector.shape_cast %transpose3A_728 : vector<4x32x128xf32> to vector<128x128xf32>
    %transpose3A_730 = tpu.transpose %reshape3A_729, [1, 0] : vector<128x128xf32> -> vector<128x128xf32>
    %swap3A_731 = arith.constant 11648 : index
    %swap3A_732 = arith.constant 0 : index
    %swap3A_733 = vector.load %arg2[%swap3A_731, %swap3A_732] : memref<16384x128xf32, #tpu.memory_space<vmem>>, vector<128x128xf32>
    tpu.vector_store %arg2[%swap3A_731, %swap3A_732], %transpose3A_730 {strides = array<i32>} : memref<16384x128xf32, #tpu.memory_space<vmem>>, vector<128x128xf32>,
    %slice3A_734 = vector.extract_strided_slice %get3A_1 {offsets = [0, 47104], sizes = [32, 512], strides = [1, 1]} : vector<32x65536xf32> to vector<32x512xf32>
    %reshape3A_735 = vector.shape_cast %slice3A_734 : vector<32x512xf32> to vector<32x4x128xf32>
    %transpose3A_736 = tpu.transpose %reshape3A_735, [1, 0, 2] : vector<32x4x128xf32> -> vector<4x32x128xf32>
    %reshape3A_737 = vector.shape_cast %transpose3A_736 : vector<4x32x128xf32> to vector<128x128xf32>
    %transpose3A_738 = tpu.transpose %reshape3A_737, [1, 0] : vector<128x128xf32> -> vector<128x128xf32>
    %swap3A_739 = arith.constant 11776 : index
    %swap3A_740 = arith.constant 0 : index
    %swap3A_741 = vector.load %arg2[%swap3A_739, %swap3A_740] : memref<16384x128xf32, #tpu.memory_space<vmem>>, vector<128x128xf32>
    tpu.vector_store %arg2[%swap3A_739, %swap3A_740], %transpose3A_738 {strides = array<i32>} : memref<16384x128xf32, #tpu.memory_space<vmem>>, vector<128x128xf32>,
    %slice3A_742 = vector.extract_strided_slice %get3A_1 {offsets = [0, 47616], sizes = [32, 512], strides = [1, 1]} : vector<32x65536xf32> to vector<32x512xf32>
    %reshape3A_743 = vector.shape_cast %slice3A_742 : vector<32x512xf32> to vector<32x4x128xf32>
    %transpose3A_744 = tpu.transpose %reshape3A_743, [1, 0, 2] : vector<32x4x128xf32> -> vector<4x32x128xf32>
    %reshape3A_745 = vector.shape_cast %transpose3A_744 : vector<4x32x128xf32> to vector<128x128xf32>
    %transpose3A_746 = tpu.transpose %reshape3A_745, [1, 0] : vector<128x128xf32> -> vector<128x128xf32>
    %swap3A_747 = arith.constant 11904 : index
    %swap3A_748 = arith.constant 0 : index
    %swap3A_749 = vector.load %arg2[%swap3A_747, %swap3A_748] : memref<16384x128xf32, #tpu.memory_space<vmem>>, vector<128x128xf32>
    tpu.vector_store %arg2[%swap3A_747, %swap3A_748], %transpose3A_746 {strides = array<i32>} : memref<16384x128xf32, #tpu.memory_space<vmem>>, vector<128x128xf32>,
    %slice3A_750 = vector.extract_strided_slice %get3A_1 {offsets = [0, 48128], sizes = [32, 512], strides = [1, 1]} : vector<32x65536xf32> to vector<32x512xf32>
    %reshape3A_751 = vector.shape_cast %slice3A_750 : vector<32x512xf32> to vector<32x4x128xf32>
    %transpose3A_752 = tpu.transpose %reshape3A_751, [1, 0, 2] : vector<32x4x128xf32> -> vector<4x32x128xf32>
    %reshape3A_753 = vector.shape_cast %transpose3A_752 : vector<4x32x128xf32> to vector<128x128xf32>
    %transpose3A_754 = tpu.transpose %reshape3A_753, [1, 0] : vector<128x128xf32> -> vector<128x128xf32>
    %swap3A_755 = arith.constant 12032 : index
    %swap3A_756 = arith.constant 0 : index
    %swap3A_757 = vector.load %arg2[%swap3A_755, %swap3A_756] : memref<16384x128xf32, #tpu.memory_space<vmem>>, vector<128x128xf32>
    tpu.vector_store %arg2[%swap3A_755, %swap3A_756], %transpose3A_754 {strides = array<i32>} : memref<16384x128xf32, #tpu.memory_space<vmem>>, vector<128x128xf32>,
    %slice3A_758 = vector.extract_strided_slice %get3A_1 {offsets = [0, 48640], sizes = [32, 512], strides = [1, 1]} : vector<32x65536xf32> to vector<32x512xf32>
    %reshape3A_759 = vector.shape_cast %slice3A_758 : vector<32x512xf32> to vector<32x4x128xf32>
    %transpose3A_760 = tpu.transpose %reshape3A_759, [1, 0, 2] : vector<32x4x128xf32> -> vector<4x32x128xf32>
    %reshape3A_761 = vector.shape_cast %transpose3A_760 : vector<4x32x128xf32> to vector<128x128xf32>
    %transpose3A_762 = tpu.transpose %reshape3A_761, [1, 0] : vector<128x128xf32> -> vector<128x128xf32>
    %swap3A_763 = arith.constant 12160 : index
    %swap3A_764 = arith.constant 0 : index
    %swap3A_765 = vector.load %arg2[%swap3A_763, %swap3A_764] : memref<16384x128xf32, #tpu.memory_space<vmem>>, vector<128x128xf32>
    tpu.vector_store %arg2[%swap3A_763, %swap3A_764], %transpose3A_762 {strides = array<i32>} : memref<16384x128xf32, #tpu.memory_space<vmem>>, vector<128x128xf32>,
    %slice3A_766 = vector.extract_strided_slice %get3A_1 {offsets = [0, 49152], sizes = [32, 512], strides = [1, 1]} : vector<32x65536xf32> to vector<32x512xf32>
    %reshape3A_767 = vector.shape_cast %slice3A_766 : vector<32x512xf32> to vector<32x4x128xf32>
    %transpose3A_768 = tpu.transpose %reshape3A_767, [1, 0, 2] : vector<32x4x128xf32> -> vector<4x32x128xf32>
    %reshape3A_769 = vector.shape_cast %transpose3A_768 : vector<4x32x128xf32> to vector<128x128xf32>
    %transpose3A_770 = tpu.transpose %reshape3A_769, [1, 0] : vector<128x128xf32> -> vector<128x128xf32>
    %swap3A_771 = arith.constant 12288 : index
    %swap3A_772 = arith.constant 0 : index
    %swap3A_773 = vector.load %arg2[%swap3A_771, %swap3A_772] : memref<16384x128xf32, #tpu.memory_space<vmem>>, vector<128x128xf32>
    tpu.vector_store %arg2[%swap3A_771, %swap3A_772], %transpose3A_770 {strides = array<i32>} : memref<16384x128xf32, #tpu.memory_space<vmem>>, vector<128x128xf32>,
    %slice3A_774 = vector.extract_strided_slice %get3A_1 {offsets = [0, 49664], sizes = [32, 512], strides = [1, 1]} : vector<32x65536xf32> to vector<32x512xf32>
    %reshape3A_775 = vector.shape_cast %slice3A_774 : vector<32x512xf32> to vector<32x4x128xf32>
    %transpose3A_776 = tpu.transpose %reshape3A_775, [1, 0, 2] : vector<32x4x128xf32> -> vector<4x32x128xf32>
    %reshape3A_777 = vector.shape_cast %transpose3A_776 : vector<4x32x128xf32> to vector<128x128xf32>
    %transpose3A_778 = tpu.transpose %reshape3A_777, [1, 0] : vector<128x128xf32> -> vector<128x128xf32>
    %swap3A_779 = arith.constant 12416 : index
    %swap3A_780 = arith.constant 0 : index
    %swap3A_781 = vector.load %arg2[%swap3A_779, %swap3A_780] : memref<16384x128xf32, #tpu.memory_space<vmem>>, vector<128x128xf32>
    tpu.vector_store %arg2[%swap3A_779, %swap3A_780], %transpose3A_778 {strides = array<i32>} : memref<16384x128xf32, #tpu.memory_space<vmem>>, vector<128x128xf32>,
    %slice3A_782 = vector.extract_strided_slice %get3A_1 {offsets = [0, 50176], sizes = [32, 512], strides = [1, 1]} : vector<32x65536xf32> to vector<32x512xf32>
    %reshape3A_783 = vector.shape_cast %slice3A_782 : vector<32x512xf32> to vector<32x4x128xf32>
    %transpose3A_784 = tpu.transpose %reshape3A_783, [1, 0, 2] : vector<32x4x128xf32> -> vector<4x32x128xf32>
    %reshape3A_785 = vector.shape_cast %transpose3A_784 : vector<4x32x128xf32> to vector<128x128xf32>
    %transpose3A_786 = tpu.transpose %reshape3A_785, [1, 0] : vector<128x128xf32> -> vector<128x128xf32>
    %swap3A_787 = arith.constant 12544 : index
    %swap3A_788 = arith.constant 0 : index
    %swap3A_789 = vector.load %arg2[%swap3A_787, %swap3A_788] : memref<16384x128xf32, #tpu.memory_space<vmem>>, vector<128x128xf32>
    tpu.vector_store %arg2[%swap3A_787, %swap3A_788], %transpose3A_786 {strides = array<i32>} : memref<16384x128xf32, #tpu.memory_space<vmem>>, vector<128x128xf32>,
    %slice3A_790 = vector.extract_strided_slice %get3A_1 {offsets = [0, 50688], sizes = [32, 512], strides = [1, 1]} : vector<32x65536xf32> to vector<32x512xf32>
    %reshape3A_791 = vector.shape_cast %slice3A_790 : vector<32x512xf32> to vector<32x4x128xf32>
    %transpose3A_792 = tpu.transpose %reshape3A_791, [1, 0, 2] : vector<32x4x128xf32> -> vector<4x32x128xf32>
    %reshape3A_793 = vector.shape_cast %transpose3A_792 : vector<4x32x128xf32> to vector<128x128xf32>
    %transpose3A_794 = tpu.transpose %reshape3A_793, [1, 0] : vector<128x128xf32> -> vector<128x128xf32>
    %swap3A_795 = arith.constant 12672 : index
    %swap3A_796 = arith.constant 0 : index
    %swap3A_797 = vector.load %arg2[%swap3A_795, %swap3A_796] : memref<16384x128xf32, #tpu.memory_space<vmem>>, vector<128x128xf32>
    tpu.vector_store %arg2[%swap3A_795, %swap3A_796], %transpose3A_794 {strides = array<i32>} : memref<16384x128xf32, #tpu.memory_space<vmem>>, vector<128x128xf32>,
    %slice3A_798 = vector.extract_strided_slice %get3A_1 {offsets = [0, 51200], sizes = [32, 512], strides = [1, 1]} : vector<32x65536xf32> to vector<32x512xf32>
    %reshape3A_799 = vector.shape_cast %slice3A_798 : vector<32x512xf32> to vector<32x4x128xf32>
    %transpose3A_800 = tpu.transpose %reshape3A_799, [1, 0, 2] : vector<32x4x128xf32> -> vector<4x32x128xf32>
    %reshape3A_801 = vector.shape_cast %transpose3A_800 : vector<4x32x128xf32> to vector<128x128xf32>
    %transpose3A_802 = tpu.transpose %reshape3A_801, [1, 0] : vector<128x128xf32> -> vector<128x128xf32>
    %swap3A_803 = arith.constant 12800 : index
    %swap3A_804 = arith.constant 0 : index
    %swap3A_805 = vector.load %arg2[%swap3A_803, %swap3A_804] : memref<16384x128xf32, #tpu.memory_space<vmem>>, vector<128x128xf32>
    tpu.vector_store %arg2[%swap3A_803, %swap3A_804], %transpose3A_802 {strides = array<i32>} : memref<16384x128xf32, #tpu.memory_space<vmem>>, vector<128x128xf32>,
    %slice3A_806 = vector.extract_strided_slice %get3A_1 {offsets = [0, 51712], sizes = [32, 512], strides = [1, 1]} : vector<32x65536xf32> to vector<32x512xf32>
    %reshape3A_807 = vector.shape_cast %slice3A_806 : vector<32x512xf32> to vector<32x4x128xf32>
    %transpose3A_808 = tpu.transpose %reshape3A_807, [1, 0, 2] : vector<32x4x128xf32> -> vector<4x32x128xf32>
    %reshape3A_809 = vector.shape_cast %transpose3A_808 : vector<4x32x128xf32> to vector<128x128xf32>
    %transpose3A_810 = tpu.transpose %reshape3A_809, [1, 0] : vector<128x128xf32> -> vector<128x128xf32>
    %swap3A_811 = arith.constant 12928 : index
    %swap3A_812 = arith.constant 0 : index
    %swap3A_813 = vector.load %arg2[%swap3A_811, %swap3A_812] : memref<16384x128xf32, #tpu.memory_space<vmem>>, vector<128x128xf32>
    tpu.vector_store %arg2[%swap3A_811, %swap3A_812], %transpose3A_810 {strides = array<i32>} : memref<16384x128xf32, #tpu.memory_space<vmem>>, vector<128x128xf32>,
    %slice3A_814 = vector.extract_strided_slice %get3A_1 {offsets = [0, 52224], sizes = [32, 512], strides = [1, 1]} : vector<32x65536xf32> to vector<32x512xf32>
    %reshape3A_815 = vector.shape_cast %slice3A_814 : vector<32x512xf32> to vector<32x4x128xf32>
    %transpose3A_816 = tpu.transpose %reshape3A_815, [1, 0, 2] : vector<32x4x128xf32> -> vector<4x32x128xf32>
    %reshape3A_817 = vector.shape_cast %transpose3A_816 : vector<4x32x128xf32> to vector<128x128xf32>
    %transpose3A_818 = tpu.transpose %reshape3A_817, [1, 0] : vector<128x128xf32> -> vector<128x128xf32>
    %swap3A_819 = arith.constant 13056 : index
    %swap3A_820 = arith.constant 0 : index
    %swap3A_821 = vector.load %arg2[%swap3A_819, %swap3A_820] : memref<16384x128xf32, #tpu.memory_space<vmem>>, vector<128x128xf32>
    tpu.vector_store %arg2[%swap3A_819, %swap3A_820], %transpose3A_818 {strides = array<i32>} : memref<16384x128xf32, #tpu.memory_space<vmem>>, vector<128x128xf32>,
    %slice3A_822 = vector.extract_strided_slice %get3A_1 {offsets = [0, 52736], sizes = [32, 512], strides = [1, 1]} : vector<32x65536xf32> to vector<32x512xf32>
    %reshape3A_823 = vector.shape_cast %slice3A_822 : vector<32x512xf32> to vector<32x4x128xf32>
    %transpose3A_824 = tpu.transpose %reshape3A_823, [1, 0, 2] : vector<32x4x128xf32> -> vector<4x32x128xf32>
    %reshape3A_825 = vector.shape_cast %transpose3A_824 : vector<4x32x128xf32> to vector<128x128xf32>
    %transpose3A_826 = tpu.transpose %reshape3A_825, [1, 0] : vector<128x128xf32> -> vector<128x128xf32>
    %swap3A_827 = arith.constant 13184 : index
    %swap3A_828 = arith.constant 0 : index
    %swap3A_829 = vector.load %arg2[%swap3A_827, %swap3A_828] : memref<16384x128xf32, #tpu.memory_space<vmem>>, vector<128x128xf32>
    tpu.vector_store %arg2[%swap3A_827, %swap3A_828], %transpose3A_826 {strides = array<i32>} : memref<16384x128xf32, #tpu.memory_space<vmem>>, vector<128x128xf32>,
    %slice3A_830 = vector.extract_strided_slice %get3A_1 {offsets = [0, 53248], sizes = [32, 512], strides = [1, 1]} : vector<32x65536xf32> to vector<32x512xf32>
    %reshape3A_831 = vector.shape_cast %slice3A_830 : vector<32x512xf32> to vector<32x4x128xf32>
    %transpose3A_832 = tpu.transpose %reshape3A_831, [1, 0, 2] : vector<32x4x128xf32> -> vector<4x32x128xf32>
    %reshape3A_833 = vector.shape_cast %transpose3A_832 : vector<4x32x128xf32> to vector<128x128xf32>
    %transpose3A_834 = tpu.transpose %reshape3A_833, [1, 0] : vector<128x128xf32> -> vector<128x128xf32>
    %swap3A_835 = arith.constant 13312 : index
    %swap3A_836 = arith.constant 0 : index
    %swap3A_837 = vector.load %arg2[%swap3A_835, %swap3A_836] : memref<16384x128xf32, #tpu.memory_space<vmem>>, vector<128x128xf32>
    tpu.vector_store %arg2[%swap3A_835, %swap3A_836], %transpose3A_834 {strides = array<i32>} : memref<16384x128xf32, #tpu.memory_space<vmem>>, vector<128x128xf32>,
    %slice3A_838 = vector.extract_strided_slice %get3A_1 {offsets = [0, 53760], sizes = [32, 512], strides = [1, 1]} : vector<32x65536xf32> to vector<32x512xf32>
    %reshape3A_839 = vector.shape_cast %slice3A_838 : vector<32x512xf32> to vector<32x4x128xf32>
    %transpose3A_840 = tpu.transpose %reshape3A_839, [1, 0, 2] : vector<32x4x128xf32> -> vector<4x32x128xf32>
    %reshape3A_841 = vector.shape_cast %transpose3A_840 : vector<4x32x128xf32> to vector<128x128xf32>
    %transpose3A_842 = tpu.transpose %reshape3A_841, [1, 0] : vector<128x128xf32> -> vector<128x128xf32>
    %swap3A_843 = arith.constant 13440 : index
    %swap3A_844 = arith.constant 0 : index
    %swap3A_845 = vector.load %arg2[%swap3A_843, %swap3A_844] : memref<16384x128xf32, #tpu.memory_space<vmem>>, vector<128x128xf32>
    tpu.vector_store %arg2[%swap3A_843, %swap3A_844], %transpose3A_842 {strides = array<i32>} : memref<16384x128xf32, #tpu.memory_space<vmem>>, vector<128x128xf32>,
    %slice3A_846 = vector.extract_strided_slice %get3A_1 {offsets = [0, 54272], sizes = [32, 512], strides = [1, 1]} : vector<32x65536xf32> to vector<32x512xf32>
    %reshape3A_847 = vector.shape_cast %slice3A_846 : vector<32x512xf32> to vector<32x4x128xf32>
    %transpose3A_848 = tpu.transpose %reshape3A_847, [1, 0, 2] : vector<32x4x128xf32> -> vector<4x32x128xf32>
    %reshape3A_849 = vector.shape_cast %transpose3A_848 : vector<4x32x128xf32> to vector<128x128xf32>
    %transpose3A_850 = tpu.transpose %reshape3A_849, [1, 0] : vector<128x128xf32> -> vector<128x128xf32>
    %swap3A_851 = arith.constant 13568 : index
    %swap3A_852 = arith.constant 0 : index
    %swap3A_853 = vector.load %arg2[%swap3A_851, %swap3A_852] : memref<16384x128xf32, #tpu.memory_space<vmem>>, vector<128x128xf32>
    tpu.vector_store %arg2[%swap3A_851, %swap3A_852], %transpose3A_850 {strides = array<i32>} : memref<16384x128xf32, #tpu.memory_space<vmem>>, vector<128x128xf32>,
    %slice3A_854 = vector.extract_strided_slice %get3A_1 {offsets = [0, 54784], sizes = [32, 512], strides = [1, 1]} : vector<32x65536xf32> to vector<32x512xf32>
    %reshape3A_855 = vector.shape_cast %slice3A_854 : vector<32x512xf32> to vector<32x4x128xf32>
    %transpose3A_856 = tpu.transpose %reshape3A_855, [1, 0, 2] : vector<32x4x128xf32> -> vector<4x32x128xf32>
    %reshape3A_857 = vector.shape_cast %transpose3A_856 : vector<4x32x128xf32> to vector<128x128xf32>
    %transpose3A_858 = tpu.transpose %reshape3A_857, [1, 0] : vector<128x128xf32> -> vector<128x128xf32>
    %swap3A_859 = arith.constant 13696 : index
    %swap3A_860 = arith.constant 0 : index
    %swap3A_861 = vector.load %arg2[%swap3A_859, %swap3A_860] : memref<16384x128xf32, #tpu.memory_space<vmem>>, vector<128x128xf32>
    tpu.vector_store %arg2[%swap3A_859, %swap3A_860], %transpose3A_858 {strides = array<i32>} : memref<16384x128xf32, #tpu.memory_space<vmem>>, vector<128x128xf32>,
    %slice3A_862 = vector.extract_strided_slice %get3A_1 {offsets = [0, 55296], sizes = [32, 512], strides = [1, 1]} : vector<32x65536xf32> to vector<32x512xf32>
    %reshape3A_863 = vector.shape_cast %slice3A_862 : vector<32x512xf32> to vector<32x4x128xf32>
    %transpose3A_864 = tpu.transpose %reshape3A_863, [1, 0, 2] : vector<32x4x128xf32> -> vector<4x32x128xf32>
    %reshape3A_865 = vector.shape_cast %transpose3A_864 : vector<4x32x128xf32> to vector<128x128xf32>
    %transpose3A_866 = tpu.transpose %reshape3A_865, [1, 0] : vector<128x128xf32> -> vector<128x128xf32>
    %swap3A_867 = arith.constant 13824 : index
    %swap3A_868 = arith.constant 0 : index
    %swap3A_869 = vector.load %arg2[%swap3A_867, %swap3A_868] : memref<16384x128xf32, #tpu.memory_space<vmem>>, vector<128x128xf32>
    tpu.vector_store %arg2[%swap3A_867, %swap3A_868], %transpose3A_866 {strides = array<i32>} : memref<16384x128xf32, #tpu.memory_space<vmem>>, vector<128x128xf32>,
    %slice3A_870 = vector.extract_strided_slice %get3A_1 {offsets = [0, 55808], sizes = [32, 512], strides = [1, 1]} : vector<32x65536xf32> to vector<32x512xf32>
    %reshape3A_871 = vector.shape_cast %slice3A_870 : vector<32x512xf32> to vector<32x4x128xf32>
    %transpose3A_872 = tpu.transpose %reshape3A_871, [1, 0, 2] : vector<32x4x128xf32> -> vector<4x32x128xf32>
    %reshape3A_873 = vector.shape_cast %transpose3A_872 : vector<4x32x128xf32> to vector<128x128xf32>
    %transpose3A_874 = tpu.transpose %reshape3A_873, [1, 0] : vector<128x128xf32> -> vector<128x128xf32>
    %swap3A_875 = arith.constant 13952 : index
    %swap3A_876 = arith.constant 0 : index
    %swap3A_877 = vector.load %arg2[%swap3A_875, %swap3A_876] : memref<16384x128xf32, #tpu.memory_space<vmem>>, vector<128x128xf32>
    tpu.vector_store %arg2[%swap3A_875, %swap3A_876], %transpose3A_874 {strides = array<i32>} : memref<16384x128xf32, #tpu.memory_space<vmem>>, vector<128x128xf32>,
    %slice3A_878 = vector.extract_strided_slice %get3A_1 {offsets = [0, 56320], sizes = [32, 512], strides = [1, 1]} : vector<32x65536xf32> to vector<32x512xf32>
    %reshape3A_879 = vector.shape_cast %slice3A_878 : vector<32x512xf32> to vector<32x4x128xf32>
    %transpose3A_880 = tpu.transpose %reshape3A_879, [1, 0, 2] : vector<32x4x128xf32> -> vector<4x32x128xf32>
    %reshape3A_881 = vector.shape_cast %transpose3A_880 : vector<4x32x128xf32> to vector<128x128xf32>
    %transpose3A_882 = tpu.transpose %reshape3A_881, [1, 0] : vector<128x128xf32> -> vector<128x128xf32>
    %swap3A_883 = arith.constant 14080 : index
    %swap3A_884 = arith.constant 0 : index
    %swap3A_885 = vector.load %arg2[%swap3A_883, %swap3A_884] : memref<16384x128xf32, #tpu.memory_space<vmem>>, vector<128x128xf32>
    tpu.vector_store %arg2[%swap3A_883, %swap3A_884], %transpose3A_882 {strides = array<i32>} : memref<16384x128xf32, #tpu.memory_space<vmem>>, vector<128x128xf32>,
    %slice3A_886 = vector.extract_strided_slice %get3A_1 {offsets = [0, 56832], sizes = [32, 512], strides = [1, 1]} : vector<32x65536xf32> to vector<32x512xf32>
    %reshape3A_887 = vector.shape_cast %slice3A_886 : vector<32x512xf32> to vector<32x4x128xf32>
    %transpose3A_888 = tpu.transpose %reshape3A_887, [1, 0, 2] : vector<32x4x128xf32> -> vector<4x32x128xf32>
    %reshape3A_889 = vector.shape_cast %transpose3A_888 : vector<4x32x128xf32> to vector<128x128xf32>
    %transpose3A_890 = tpu.transpose %reshape3A_889, [1, 0] : vector<128x128xf32> -> vector<128x128xf32>
    %swap3A_891 = arith.constant 14208 : index
    %swap3A_892 = arith.constant 0 : index
    %swap3A_893 = vector.load %arg2[%swap3A_891, %swap3A_892] : memref<16384x128xf32, #tpu.memory_space<vmem>>, vector<128x128xf32>
    tpu.vector_store %arg2[%swap3A_891, %swap3A_892], %transpose3A_890 {strides = array<i32>} : memref<16384x128xf32, #tpu.memory_space<vmem>>, vector<128x128xf32>,
    %slice3A_894 = vector.extract_strided_slice %get3A_1 {offsets = [0, 57344], sizes = [32, 512], strides = [1, 1]} : vector<32x65536xf32> to vector<32x512xf32>
    %reshape3A_895 = vector.shape_cast %slice3A_894 : vector<32x512xf32> to vector<32x4x128xf32>
    %transpose3A_896 = tpu.transpose %reshape3A_895, [1, 0, 2] : vector<32x4x128xf32> -> vector<4x32x128xf32>
    %reshape3A_897 = vector.shape_cast %transpose3A_896 : vector<4x32x128xf32> to vector<128x128xf32>
    %transpose3A_898 = tpu.transpose %reshape3A_897, [1, 0] : vector<128x128xf32> -> vector<128x128xf32>
    %swap3A_899 = arith.constant 14336 : index
    %swap3A_900 = arith.constant 0 : index
    %swap3A_901 = vector.load %arg2[%swap3A_899, %swap3A_900] : memref<16384x128xf32, #tpu.memory_space<vmem>>, vector<128x128xf32>
    tpu.vector_store %arg2[%swap3A_899, %swap3A_900], %transpose3A_898 {strides = array<i32>} : memref<16384x128xf32, #tpu.memory_space<vmem>>, vector<128x128xf32>,
    %slice3A_902 = vector.extract_strided_slice %get3A_1 {offsets = [0, 57856], sizes = [32, 512], strides = [1, 1]} : vector<32x65536xf32> to vector<32x512xf32>
    %reshape3A_903 = vector.shape_cast %slice3A_902 : vector<32x512xf32> to vector<32x4x128xf32>
    %transpose3A_904 = tpu.transpose %reshape3A_903, [1, 0, 2] : vector<32x4x128xf32> -> vector<4x32x128xf32>
    %reshape3A_905 = vector.shape_cast %transpose3A_904 : vector<4x32x128xf32> to vector<128x128xf32>
    %transpose3A_906 = tpu.transpose %reshape3A_905, [1, 0] : vector<128x128xf32> -> vector<128x128xf32>
    %swap3A_907 = arith.constant 14464 : index
    %swap3A_908 = arith.constant 0 : index
    %swap3A_909 = vector.load %arg2[%swap3A_907, %swap3A_908] : memref<16384x128xf32, #tpu.memory_space<vmem>>, vector<128x128xf32>
    tpu.vector_store %arg2[%swap3A_907, %swap3A_908], %transpose3A_906 {strides = array<i32>} : memref<16384x128xf32, #tpu.memory_space<vmem>>, vector<128x128xf32>,
    %slice3A_910 = vector.extract_strided_slice %get3A_1 {offsets = [0, 58368], sizes = [32, 512], strides = [1, 1]} : vector<32x65536xf32> to vector<32x512xf32>
    %reshape3A_911 = vector.shape_cast %slice3A_910 : vector<32x512xf32> to vector<32x4x128xf32>
    %transpose3A_912 = tpu.transpose %reshape3A_911, [1, 0, 2] : vector<32x4x128xf32> -> vector<4x32x128xf32>
    %reshape3A_913 = vector.shape_cast %transpose3A_912 : vector<4x32x128xf32> to vector<128x128xf32>
    %transpose3A_914 = tpu.transpose %reshape3A_913, [1, 0] : vector<128x128xf32> -> vector<128x128xf32>
    %swap3A_915 = arith.constant 14592 : index
    %swap3A_916 = arith.constant 0 : index
    %swap3A_917 = vector.load %arg2[%swap3A_915, %swap3A_916] : memref<16384x128xf32, #tpu.memory_space<vmem>>, vector<128x128xf32>
    tpu.vector_store %arg2[%swap3A_915, %swap3A_916], %transpose3A_914 {strides = array<i32>} : memref<16384x128xf32, #tpu.memory_space<vmem>>, vector<128x128xf32>,
    %slice3A_918 = vector.extract_strided_slice %get3A_1 {offsets = [0, 58880], sizes = [32, 512], strides = [1, 1]} : vector<32x65536xf32> to vector<32x512xf32>
    %reshape3A_919 = vector.shape_cast %slice3A_918 : vector<32x512xf32> to vector<32x4x128xf32>
    %transpose3A_920 = tpu.transpose %reshape3A_919, [1, 0, 2] : vector<32x4x128xf32> -> vector<4x32x128xf32>
    %reshape3A_921 = vector.shape_cast %transpose3A_920 : vector<4x32x128xf32> to vector<128x128xf32>
    %transpose3A_922 = tpu.transpose %reshape3A_921, [1, 0] : vector<128x128xf32> -> vector<128x128xf32>
    %swap3A_923 = arith.constant 14720 : index
    %swap3A_924 = arith.constant 0 : index
    %swap3A_925 = vector.load %arg2[%swap3A_923, %swap3A_924] : memref<16384x128xf32, #tpu.memory_space<vmem>>, vector<128x128xf32>
    tpu.vector_store %arg2[%swap3A_923, %swap3A_924], %transpose3A_922 {strides = array<i32>} : memref<16384x128xf32, #tpu.memory_space<vmem>>, vector<128x128xf32>,
    %slice3A_926 = vector.extract_strided_slice %get3A_1 {offsets = [0, 59392], sizes = [32, 512], strides = [1, 1]} : vector<32x65536xf32> to vector<32x512xf32>
    %reshape3A_927 = vector.shape_cast %slice3A_926 : vector<32x512xf32> to vector<32x4x128xf32>
    %transpose3A_928 = tpu.transpose %reshape3A_927, [1, 0, 2] : vector<32x4x128xf32> -> vector<4x32x128xf32>
    %reshape3A_929 = vector.shape_cast %transpose3A_928 : vector<4x32x128xf32> to vector<128x128xf32>
    %transpose3A_930 = tpu.transpose %reshape3A_929, [1, 0] : vector<128x128xf32> -> vector<128x128xf32>
    %swap3A_931 = arith.constant 14848 : index
    %swap3A_932 = arith.constant 0 : index
    %swap3A_933 = vector.load %arg2[%swap3A_931, %swap3A_932] : memref<16384x128xf32, #tpu.memory_space<vmem>>, vector<128x128xf32>
    tpu.vector_store %arg2[%swap3A_931, %swap3A_932], %transpose3A_930 {strides = array<i32>} : memref<16384x128xf32, #tpu.memory_space<vmem>>, vector<128x128xf32>,
    %slice3A_934 = vector.extract_strided_slice %get3A_1 {offsets = [0, 59904], sizes = [32, 512], strides = [1, 1]} : vector<32x65536xf32> to vector<32x512xf32>
    %reshape3A_935 = vector.shape_cast %slice3A_934 : vector<32x512xf32> to vector<32x4x128xf32>
    %transpose3A_936 = tpu.transpose %reshape3A_935, [1, 0, 2] : vector<32x4x128xf32> -> vector<4x32x128xf32>
    %reshape3A_937 = vector.shape_cast %transpose3A_936 : vector<4x32x128xf32> to vector<128x128xf32>
    %transpose3A_938 = tpu.transpose %reshape3A_937, [1, 0] : vector<128x128xf32> -> vector<128x128xf32>
    %swap3A_939 = arith.constant 14976 : index
    %swap3A_940 = arith.constant 0 : index
    %swap3A_941 = vector.load %arg2[%swap3A_939, %swap3A_940] : memref<16384x128xf32, #tpu.memory_space<vmem>>, vector<128x128xf32>
    tpu.vector_store %arg2[%swap3A_939, %swap3A_940], %transpose3A_938 {strides = array<i32>} : memref<16384x128xf32, #tpu.memory_space<vmem>>, vector<128x128xf32>,
    %slice3A_942 = vector.extract_strided_slice %get3A_1 {offsets = [0, 60416], sizes = [32, 512], strides = [1, 1]} : vector<32x65536xf32> to vector<32x512xf32>
    %reshape3A_943 = vector.shape_cast %slice3A_942 : vector<32x512xf32> to vector<32x4x128xf32>
    %transpose3A_944 = tpu.transpose %reshape3A_943, [1, 0, 2] : vector<32x4x128xf32> -> vector<4x32x128xf32>
    %reshape3A_945 = vector.shape_cast %transpose3A_944 : vector<4x32x128xf32> to vector<128x128xf32>
    %transpose3A_946 = tpu.transpose %reshape3A_945, [1, 0] : vector<128x128xf32> -> vector<128x128xf32>
    %swap3A_947 = arith.constant 15104 : index
    %swap3A_948 = arith.constant 0 : index
    %swap3A_949 = vector.load %arg2[%swap3A_947, %swap3A_948] : memref<16384x128xf32, #tpu.memory_space<vmem>>, vector<128x128xf32>
    tpu.vector_store %arg2[%swap3A_947, %swap3A_948], %transpose3A_946 {strides = array<i32>} : memref<16384x128xf32, #tpu.memory_space<vmem>>, vector<128x128xf32>,
    %slice3A_950 = vector.extract_strided_slice %get3A_1 {offsets = [0, 60928], sizes = [32, 512], strides = [1, 1]} : vector<32x65536xf32> to vector<32x512xf32>
    %reshape3A_951 = vector.shape_cast %slice3A_950 : vector<32x512xf32> to vector<32x4x128xf32>
    %transpose3A_952 = tpu.transpose %reshape3A_951, [1, 0, 2] : vector<32x4x128xf32> -> vector<4x32x128xf32>
    %reshape3A_953 = vector.shape_cast %transpose3A_952 : vector<4x32x128xf32> to vector<128x128xf32>
    %transpose3A_954 = tpu.transpose %reshape3A_953, [1, 0] : vector<128x128xf32> -> vector<128x128xf32>
    %swap3A_955 = arith.constant 15232 : index
    %swap3A_956 = arith.constant 0 : index
    %swap3A_957 = vector.load %arg2[%swap3A_955, %swap3A_956] : memref<16384x128xf32, #tpu.memory_space<vmem>>, vector<128x128xf32>
    tpu.vector_store %arg2[%swap3A_955, %swap3A_956], %transpose3A_954 {strides = array<i32>} : memref<16384x128xf32, #tpu.memory_space<vmem>>, vector<128x128xf32>,
    %slice3A_958 = vector.extract_strided_slice %get3A_1 {offsets = [0, 61440], sizes = [32, 512], strides = [1, 1]} : vector<32x65536xf32> to vector<32x512xf32>
    %reshape3A_959 = vector.shape_cast %slice3A_958 : vector<32x512xf32> to vector<32x4x128xf32>
    %transpose3A_960 = tpu.transpose %reshape3A_959, [1, 0, 2] : vector<32x4x128xf32> -> vector<4x32x128xf32>
    %reshape3A_961 = vector.shape_cast %transpose3A_960 : vector<4x32x128xf32> to vector<128x128xf32>
    %transpose3A_962 = tpu.transpose %reshape3A_961, [1, 0] : vector<128x128xf32> -> vector<128x128xf32>
    %swap3A_963 = arith.constant 15360 : index
    %swap3A_964 = arith.constant 0 : index
    %swap3A_965 = vector.load %arg2[%swap3A_963, %swap3A_964] : memref<16384x128xf32, #tpu.memory_space<vmem>>, vector<128x128xf32>
    tpu.vector_store %arg2[%swap3A_963, %swap3A_964], %transpose3A_962 {strides = array<i32>} : memref<16384x128xf32, #tpu.memory_space<vmem>>, vector<128x128xf32>,
    %slice3A_966 = vector.extract_strided_slice %get3A_1 {offsets = [0, 61952], sizes = [32, 512], strides = [1, 1]} : vector<32x65536xf32> to vector<32x512xf32>
    %reshape3A_967 = vector.shape_cast %slice3A_966 : vector<32x512xf32> to vector<32x4x128xf32>
    %transpose3A_968 = tpu.transpose %reshape3A_967, [1, 0, 2] : vector<32x4x128xf32> -> vector<4x32x128xf32>
    %reshape3A_969 = vector.shape_cast %transpose3A_968 : vector<4x32x128xf32> to vector<128x128xf32>
    %transpose3A_970 = tpu.transpose %reshape3A_969, [1, 0] : vector<128x128xf32> -> vector<128x128xf32>
    %swap3A_971 = arith.constant 15488 : index
    %swap3A_972 = arith.constant 0 : index
    %swap3A_973 = vector.load %arg2[%swap3A_971, %swap3A_972] : memref<16384x128xf32, #tpu.memory_space<vmem>>, vector<128x128xf32>
    tpu.vector_store %arg2[%swap3A_971, %swap3A_972], %transpose3A_970 {strides = array<i32>} : memref<16384x128xf32, #tpu.memory_space<vmem>>, vector<128x128xf32>,
    %slice3A_974 = vector.extract_strided_slice %get3A_1 {offsets = [0, 62464], sizes = [32, 512], strides = [1, 1]} : vector<32x65536xf32> to vector<32x512xf32>
    %reshape3A_975 = vector.shape_cast %slice3A_974 : vector<32x512xf32> to vector<32x4x128xf32>
    %transpose3A_976 = tpu.transpose %reshape3A_975, [1, 0, 2] : vector<32x4x128xf32> -> vector<4x32x128xf32>
    %reshape3A_977 = vector.shape_cast %transpose3A_976 : vector<4x32x128xf32> to vector<128x128xf32>
    %transpose3A_978 = tpu.transpose %reshape3A_977, [1, 0] : vector<128x128xf32> -> vector<128x128xf32>
    %swap3A_979 = arith.constant 15616 : index
    %swap3A_980 = arith.constant 0 : index
    %swap3A_981 = vector.load %arg2[%swap3A_979, %swap3A_980] : memref<16384x128xf32, #tpu.memory_space<vmem>>, vector<128x128xf32>
    tpu.vector_store %arg2[%swap3A_979, %swap3A_980], %transpose3A_978 {strides = array<i32>} : memref<16384x128xf32, #tpu.memory_space<vmem>>, vector<128x128xf32>,
    %slice3A_982 = vector.extract_strided_slice %get3A_1 {offsets = [0, 62976], sizes = [32, 512], strides = [1, 1]} : vector<32x65536xf32> to vector<32x512xf32>
    %reshape3A_983 = vector.shape_cast %slice3A_982 : vector<32x512xf32> to vector<32x4x128xf32>
    %transpose3A_984 = tpu.transpose %reshape3A_983, [1, 0, 2] : vector<32x4x128xf32> -> vector<4x32x128xf32>
    %reshape3A_985 = vector.shape_cast %transpose3A_984 : vector<4x32x128xf32> to vector<128x128xf32>
    %transpose3A_986 = tpu.transpose %reshape3A_985, [1, 0] : vector<128x128xf32> -> vector<128x128xf32>
    %swap3A_987 = arith.constant 15744 : index
    %swap3A_988 = arith.constant 0 : index
    %swap3A_989 = vector.load %arg2[%swap3A_987, %swap3A_988] : memref<16384x128xf32, #tpu.memory_space<vmem>>, vector<128x128xf32>
    tpu.vector_store %arg2[%swap3A_987, %swap3A_988], %transpose3A_986 {strides = array<i32>} : memref<16384x128xf32, #tpu.memory_space<vmem>>, vector<128x128xf32>,
    %slice3A_990 = vector.extract_strided_slice %get3A_1 {offsets = [0, 63488], sizes = [32, 512], strides = [1, 1]} : vector<32x65536xf32> to vector<32x512xf32>
    %reshape3A_991 = vector.shape_cast %slice3A_990 : vector<32x512xf32> to vector<32x4x128xf32>
    %transpose3A_992 = tpu.transpose %reshape3A_991, [1, 0, 2] : vector<32x4x128xf32> -> vector<4x32x128xf32>
    %reshape3A_993 = vector.shape_cast %transpose3A_992 : vector<4x32x128xf32> to vector<128x128xf32>
    %transpose3A_994 = tpu.transpose %reshape3A_993, [1, 0] : vector<128x128xf32> -> vector<128x128xf32>
    %swap3A_995 = arith.constant 15872 : index
    %swap3A_996 = arith.constant 0 : index
    %swap3A_997 = vector.load %arg2[%swap3A_995, %swap3A_996] : memref<16384x128xf32, #tpu.memory_space<vmem>>, vector<128x128xf32>
    tpu.vector_store %arg2[%swap3A_995, %swap3A_996], %transpose3A_994 {strides = array<i32>} : memref<16384x128xf32, #tpu.memory_space<vmem>>, vector<128x128xf32>,
    %slice3A_998 = vector.extract_strided_slice %get3A_1 {offsets = [0, 64000], sizes = [32, 512], strides = [1, 1]} : vector<32x65536xf32> to vector<32x512xf32>
    %reshape3A_999 = vector.shape_cast %slice3A_998 : vector<32x512xf32> to vector<32x4x128xf32>
    %transpose3A_1000 = tpu.transpose %reshape3A_999, [1, 0, 2] : vector<32x4x128xf32> -> vector<4x32x128xf32>
    %reshape3A_1001 = vector.shape_cast %transpose3A_1000 : vector<4x32x128xf32> to vector<128x128xf32>
    %transpose3A_1002 = tpu.transpose %reshape3A_1001, [1, 0] : vector<128x128xf32> -> vector<128x128xf32>
    %swap3A_1003 = arith.constant 16000 : index
    %swap3A_1004 = arith.constant 0 : index
    %swap3A_1005 = vector.load %arg2[%swap3A_1003, %swap3A_1004] : memref<16384x128xf32, #tpu.memory_space<vmem>>, vector<128x128xf32>
    tpu.vector_store %arg2[%swap3A_1003, %swap3A_1004], %transpose3A_1002 {strides = array<i32>} : memref<16384x128xf32, #tpu.memory_space<vmem>>, vector<128x128xf32>,
    %slice3A_1006 = vector.extract_strided_slice %get3A_1 {offsets = [0, 64512], sizes = [32, 512], strides = [1, 1]} : vector<32x65536xf32> to vector<32x512xf32>
    %reshape3A_1007 = vector.shape_cast %slice3A_1006 : vector<32x512xf32> to vector<32x4x128xf32>
    %transpose3A_1008 = tpu.transpose %reshape3A_1007, [1, 0, 2] : vector<32x4x128xf32> -> vector<4x32x128xf32>
    %reshape3A_1009 = vector.shape_cast %transpose3A_1008 : vector<4x32x128xf32> to vector<128x128xf32>
    %transpose3A_1010 = tpu.transpose %reshape3A_1009, [1, 0] : vector<128x128xf32> -> vector<128x128xf32>
    %swap3A_1011 = arith.constant 16128 : index
    %swap3A_1012 = arith.constant 0 : index
    %swap3A_1013 = vector.load %arg2[%swap3A_1011, %swap3A_1012] : memref<16384x128xf32, #tpu.memory_space<vmem>>, vector<128x128xf32>
    tpu.vector_store %arg2[%swap3A_1011, %swap3A_1012], %transpose3A_1010 {strides = array<i32>} : memref<16384x128xf32, #tpu.memory_space<vmem>>, vector<128x128xf32>,
    %slice3A_1014 = vector.extract_strided_slice %get3A_1 {offsets = [0, 65024], sizes = [32, 512], strides = [1, 1]} : vector<32x65536xf32> to vector<32x512xf32>
    %reshape3A_1015 = vector.shape_cast %slice3A_1014 : vector<32x512xf32> to vector<32x4x128xf32>
    %transpose3A_1016 = tpu.transpose %reshape3A_1015, [1, 0, 2] : vector<32x4x128xf32> -> vector<4x32x128xf32>
    %reshape3A_1017 = vector.shape_cast %transpose3A_1016 : vector<4x32x128xf32> to vector<128x128xf32>
    %transpose3A_1018 = tpu.transpose %reshape3A_1017, [1, 0] : vector<128x128xf32> -> vector<128x128xf32>
    %swap3A_1019 = arith.constant 16256 : index
    %swap3A_1020 = arith.constant 0 : index
    %swap3A_1021 = vector.load %arg2[%swap3A_1019, %swap3A_1020] : memref<16384x128xf32, #tpu.memory_space<vmem>>, vector<128x128xf32>
    tpu.vector_store %arg2[%swap3A_1019, %swap3A_1020], %transpose3A_1018 {strides = array<i32>} : memref<16384x128xf32, #tpu.memory_space<vmem>>, vector<128x128xf32>,
    return
  }
  func.func @transform_0(%arg0: i32) -> (i32, i32) {
    %c0_i32 = arith.constant 0 : i32
    %c0_i32_0 = arith.constant 0 : i32
    return %c0_i32, %arg0 : i32, i32
  }
  func.func @transform_1(%arg0: i32) -> (i32, i32) {
    %c0_i32 = arith.constant 0 : i32
    %c0_i32_0 = arith.constant 0 : i32
    return %arg0, %c0_i32 : i32, i32
  }
}

</mosaic_0001>

<sc_bundles>
// kernel: kernel.5.cloned.1.call-start
scs
__scs_entry_jumppad:
0x0: {  	(pc) =	sbr.rel $0x88, $3  }
0x1: {  	(tag) =	ssettag $0x0;
	lr =	simm.s32 $0x1  }
0x2: {  	[smem:$0x3F9A] =	sst lr;
	_ =	strace $0xD0000000  }
0x3: {  	_ = 	snop  }
0x4: {  	_ = 	snop  }
0x5: {  	_ = 	snop  }
0x6: {  	_ = 	snop  }
0x7: {  	_ = 	snop  }
__scs_overlays_trampoline_lowered:
0x8: {  	[smem:$0x3FA9] =	sst s0  }
0x9: {  	[smem:$0x3FAA] =	sst s1  }
0xa: {  	[smem:$0x3FAB] =	sst s2  }
0xb: {  	[smem:$0x3FAC] =	sst s3  }
0xc: {  	[smem:$0x3FAD] =	sst s4  }
0xd: {  	[smem:$0x3FAE] =	sst s5  }
0xe: {  	[smem:$0x3FAF] =	sst s6  }
0xf: {  	[smem:$0x3FB0] =	sst s7  }
0x10: {  	[smem:$0x3FB1] =	sst s8  }
0x11: {  	[smem:$0x3FB2] =	sst s9;
	s0 =	simm.s32 @!p0 $0x0  }
0x12: {  	s1 =	sld [smem:$0x3F98];
	s0 =	simm.s32 @p0 $0x1  }
0x13: {  	[smem:$0x3FB3] =	sst s0;
	s0 =	simm.s32 @!p1 $0x0  }
0x14: {  	s2 =	sld [smem:$0x3F97];
	s0 =	simm.s32 @p1 $0x1  }
0x15: {  	[smem:$0x3FB4] =	sst s0;
	s0 =	simm.s32 @!p2 $0x0  }
0x16: {  	s3 =	sld [smem:$0x3FDB];
	s0 =	simm.s32 @p2 $0x1  }
0x17: {  	s4 =	simm.s32 $0x1BF5;
	[smem:$0x3FB6] =	sst s0  }
0x18: {  	s0 =	sld [smem:$0x3F99];
	_ =	swait.ge [sflag:s4], $0x0  }
0x19: {  	s7 =	sld [smem:$0x3F9A]  }
0x1a: {  	s8 =	sadd.s32 $0xFFFFE003, lr  }
0x1b: {  	s9 =	sadd.s32 $0xFFFFFEF7, lr;
	s5 =	simm.s32 $0xFFFFFFFF;
	p2 =	slt.u32 s8, $0xFFFFF086  }
0x1c: {  	p1 =	slt.u32 s9, $0xF7A;
	s5 =	simm.s32 @!p2 $0x0  }
0x1d: {  	s5 =	simm.s32 @p1 $0x1;
	p0 =	seq.s32 s7, s2  }
0x1e: {  	s7 =	smul.u32 @!p0 $0xF7A, s2;
	p2 =	seq.s32 @!p0 s5, $0x0  }
0x1f: {  	s9 =	smul.u32 $0xF7A, s1;
	s8 =	simm.s32 @!p0 $0x1BF5;
	p2 =	por !p2, p0  }
0x20: {  	[sflag:s8] =	ssyncset.s32 @!p0 $0xFFFFF086;
	s6 =	sadd.s32 @!p0 s3, s7;
	s7 =	simm.s32 @!p0 $0x108  }
0x21: {  	s3 =	sadd.s32 s3, s9;
	s6 =	sadd.s32 @!p0 $0x88, s6;
	s7 =	simm.s32 @p2 $0x1082  }
0x22: {  	[simem:s7], [sflag:s8] =	dma.local @!p0 [hbm:s6], $0xF7A  }
0x23: {  	s9 =	sor.u32 $0xD0000000, s2;
	s6 =	simm.s32 $0x108;
	_ =	swait.ge @!p0 [sflag:s8], $0x0  }
0x24: {  	s3 =	sadd.s32 $0x88, s3;
	s6 =	simm.s32 @!p1 $0x1082;
	[sflag:s4] =	ssyncset.s32 $0xFFFFF086  }
0x25: {  	[simem:s6], [sflag:s4] =	dma.local [hbm:s3], $0xF7A  }
0x26: {  	[smem:$0x3F9A] =	sst s1;
	(tag) =	ssettag s2;
	_ =	strace s9  }
0x27: {  	s1 =	sld [smem:$0x3FAA]  }
0x28: {  	s2 =	sld [smem:$0x3FAB]  }
0x29: {  	s4 =	sld [smem:$0x3FAD]  }
0x2a: {  	p0 =	seq.s32 s5, $0x0;
	s5 =	sld [smem:$0x3FAE]  }
0x2b: {  	s6 =	sld [smem:$0x3FAF]  }
0x2c: {  	s7 =	sld [smem:$0x3FB0]  }
0x2d: {  	s3 =	simm.s32 $0x108;
	s8 =	sld [smem:$0x3FB1]  }
0x2e: {  	s3 =	simm.s32 @!p0 $0x1082;
	s9 =	sld [smem:$0x3FB2]  }
0x2f: {  	lr =	sadd.s32 s0, s3;
	s0 =	sld [smem:$0x3FA9]  }
0x30: {  	s3 =	sld [smem:$0x3FAC]  }
0x31: {  	[smem:$0x3FB5] =	sst s10  }
0x32: {  	s10 =	sld [smem:$0x3FB3];
	_ =	sdelay $0x3  }
0x33: {  	p0 =	seq.s32 s10, $0x1;
	s10 =	sld [smem:$0x3FB5];
	_ =	sdelay $0x3  }
0x34: {  	[smem:$0x3FB5] =	sst s10  }
0x35: {  	s10 =	sld [smem:$0x3FB4];
	_ =	sdelay $0x3  }
0x36: {  	p1 =	seq.s32 s10, $0x1;
	s10 =	sld [smem:$0x3FB5];
	_ =	sdelay $0x3  }
0x37: {  	[smem:$0x3FB5] =	sst s10  }
0x38: {  	s10 =	sld [smem:$0x3FB6]  }
0x39: {  	_ = 	snop;
	(pc) =	sbr.ind lr, $3  }
0x3a: {  	_ = 	snop  }
0x3b: {  	_ = 	snop  }
0x3c: {  	p2 =	seq.s32 s10, $0x1;
	s10 =	sld [smem:$0x3FB5]  }
0x3d: {  	_ =	shalt  }
0x3e: {  	_ =	shalt  }
0x3f: {  	_ =	shalt  }
0x40: {  	_ =	shalt  }
0x41: {  	_ =	shalt  }
0x42: {  	_ =	shalt  }
0x43: {  	_ =	shalt  }
0x44: {  	_ =	shalt  }
0x45: {  	_ =	shalt  }
0x46: {  	_ =	shalt  }
0x47: {  	_ =	shalt  }
0x48: {  	_ =	shalt  }
0x49: {  	_ =	shalt  }
0x4a: {  	_ =	shalt  }
0x4b: {  	_ =	shalt  }
0x4c: {  	_ =	shalt  }
0x4d: {  	_ =	shalt  }
0x4e: {  	_ =	shalt  }
0x4f: {  	_ =	shalt  }
0x50: {  	_ =	shalt  }
0x51: {  	_ =	shalt  }
0x52: {  	_ =	shalt  }
0x53: {  	_ =	shalt  }
0x54: {  	_ =	shalt  }
0x55: {  	_ =	shalt  }
0x56: {  	_ =	shalt  }
0x57: {  	_ =	shalt  }
0x58: {  	_ =	shalt  }
0x59: {  	_ =	shalt  }
0x5a: {  	_ =	shalt  }
0x5b: {  	_ =	shalt  }
0x5c: {  	_ =	shalt  }
0x5d: {  	_ =	shalt  }
0x5e: {  	_ =	shalt  }
0x5f: {  	_ =	shalt  }
0x60: {  	_ =	shalt  }
0x61: {  	_ =	shalt  }
0x62: {  	_ =	shalt  }
0x63: {  	_ =	shalt  }
0x64: {  	_ =	shalt  }
0x65: {  	_ =	shalt  }
0x66: {  	_ =	shalt  }
0x67: {  	_ =	shalt  }
0x68: {  	_ =	shalt  }
0x69: {  	_ =	shalt  }
0x6a: {  	_ =	shalt  }
0x6b: {  	_ =	shalt  }
0x6c: {  	_ =	shalt  }
0x6d: {  	_ =	shalt  }
0x6e: {  	_ =	shalt  }
0x6f: {  	_ =	shalt  }
0x70: {  	_ =	shalt  }
0x71: {  	_ =	shalt  }
0x72: {  	_ =	shalt  }
0x73: {  	_ =	shalt  }
0x74: {  	_ =	shalt  }
0x75: {  	_ =	shalt  }
0x76: {  	_ =	shalt  }
0x77: {  	_ =	shalt  }
0x78: {  	_ =	shalt  }
0x79: {  	_ =	shalt  }
0x7a: {  	_ =	shalt  }
0x7b: {  	_ =	shalt  }
0x7c: {  	_ =	shalt  }
0x7d: {  	_ =	shalt  }
0x7e: {  	_ =	shalt  }
0x7f: {  	_ =	shalt  }
0x80: {  	_ =	shalt  }
0x81: {  	_ =	shalt  }
0x82: {  	_ =	shalt  }
0x83: {  	_ =	shalt  }
0x84: {  	_ =	shalt  }
0x85: {  	_ =	shalt  }
0x86: {  	_ =	shalt  }
0x87: {  	_ =	shalt  }
.Lfunc_end0:
.L_simem_size_0:
called_computation_lowered:
.L_overlay_start_0:
0x88: {  	s2 =	sld [smem:$0x3FD9]  }
0x89: {  	s3 =	sld [smem:$0x3FFE];
	_ =	sdelay $0x1  }
0x8a: {  	s1 =	srdreg.scid  }
0x8b: {  	s0 =	sand.u32 $0x1, s1  }
0x8c: {  	s17 =	sshll.u32 s0, $0xA;
	s2 =	sadd.s32 s3, s2  }
0x8d: {  	s2 =	sadd.s32 s2, s17  }
0x8e: {  	[smem:$0x3FC1] =	sst s2  }
0x8f: {  	_ = 	snop  }
0x90: {  	s2 =	sld [smem:$0x3FC9]  }
0x91: {  	s18 =	sld [smem:$0x3FC8];
	(tm) =	ssettm $0x1  }
0x92: {  	s4 =	sld [smem:$0x3FFB];
	_ =	sdelay $0x3  }
0x93: {  	_ =	strace s4  }
0x94: {  	s4 =	sld [smem:$0x3FFC];
	_ =	sdelay $0x3  }
0x95: {  	_ =	strace s4  }
0x96: {  	s4 =	sld [smem:$0x3FFD];
	_ =	sdelay $0x3  }
0x97: {  	_ =	strace s4  }
0x98: {  	_ =	strace $0x8FFFFFFF  }
0x99: {  	s19 =	sld [smem:$0x3FDB];
	_ =	sdelay $0x1  }
0x9a: {  	s5 =	simm.s32 $_scs_section_size  }
0x9b: {  	s6 =	simm.s32 $_size__tile_overlayer_lowered;
	s7 =	simm.s32 $_tile_overlayer_lowered  }
0x9c: {  	s22 =	simm.s32 $0x1BFF;
	s21 =	sshll.u32 s7, $0x1;
	s4 =	sadd.s32 s5, s19  }
0x9d: {  	s8 =	simm.s32 $0x0;
	s20 =	sshll.u32 s6, $0x1;
	s6 =	sadd.s32 s21, s4  }
0x9e: {  	[timem:s8], [sflag:s22] =	dma.local [hbm:s6], s20  }
0x9f: {  	_ =	swait.ge [sflag:s22], s20  }
0xa0: {  	s5 =	ssub.s32 $0x0, s20;
	[sflag:s22] =	ssyncset.done $0x0  }
0xa1: {  	[sflag:s22] =	ssyncadd.s32 s5;
	_ =	sdelay $0x1  }
0xa2: {  	s23 =	simm.s32 $0x1B8B  }
0xa3: {  	_ =	swait.ge [sflag:s23], $0x1  }
0xa4: {  	[sflag:s23] =	ssyncset.done $0x0  }
0xa5: {  	s25 =	simm.s32 $0x1B8E;
	s24 =	sld [smem:$0x3FFE];
	[sflag:s23] =	ssyncadd.s32 $0xFFFFFFFF  }
0xa6: {  	s26 =	simm.s32 $execute0_lowered;
	[smem:$0x3FD2] =	sst s25  }
0xa7: {  	s6 =	sshll.u32 s26, $0x1;
	_ =	strace $0x80000046;
	[dreg:$0x1] =	wrdreg $0xFFFFFFFF  }
0xa8: {  	s28 =	simm.s32 $_size_execute0_lowered;
	s4 =	sadd.s32 s4, s6;
	[dreg:$0x0] =	wrdreg $0x0  }
0xa9: {  	s6 =	sshll.u32 s28, $0x1;
	[dreg:$0x2] =	wrdreg s4  }
0xaa: {  	[dreg:$0x3] =	wrdreg s6  }
0xab: {  	[dreg:$0x4] =	wrdreg $0xC0  }
0xac: {  	_ =	task [dreg:s8], $0x5FFFF  }
0xad: {  	[dreg:$0x1] =	wrdreg $0xFFFFFFFF  }
0xae: {  	[dreg:$0x0] =	wrdreg $0x60  }
0xaf: {  	[dreg:$0x2] =	wrdreg s2  }
0xb0: {  	[dreg:$0x3] =	wrdreg s18  }
0xb1: {  	[dreg:$0x4] =	wrdreg s24  }
0xb2: {  	[dreg:$0x5] =	wrdreg $0x9  }
0xb3: {  	_ =	task.clear_ibuf [dreg:s8], $0x6FFFF;
	_ =	strace $0x90000046  }
0xb4: {  	s29 =	simm.s32 $0x9;
	_ =	strace $0x80000048  }
0xb5: {  	_ =	swait.ge [sflag:s29], $0x1  }
0xb6: {  	[sflag:s29] =	ssyncadd.s32 $0xFFFFFFFF  }
0xb7: {  	_ =	strace $0x90000048  }
0xb8: {  	_ =	sfence  }
0xb9: {  	s30 =	sld [smem:$0x0];
	_ =	sdelay $0x2  }
0xba: {  	s31 =	sshll.u32 s1, $0xD;
	s1 =	sshrl.u32 s1, $0x2  }
0xbb: {  	s3 =	sand.u32 $0x4000, s31;
	s1 =	sadd.s32 s1, s30  }
0xbc: {  	s0 =	sor.u32 s3, s0;
	s1 =	sshll.u32 s1, $0x11  }
0xbd: {  	s0 =	sor.u32 s1, s0  }
0xbe: {  	s0 =	sadd.s32 $0x8F2B, s0  }
0xbf: {  	[sflag:s0] =	ssyncadd.remote.s32 $0x1  }
0xc0: {  	_ =	sfence.sel $0xFFFF  }
0xc1: {  	[dreg:$0x0] =	wrdreg $0xFFFFFFFF;
	(pc) =	sbr.abs _section_cstart, $3  }
0xc2: {  	[dreg:$0x1] =	wrdreg $0xFFFFFFFF  }
0xc3: {  	_ =	task.clear_ibuf [dreg:s8], $0x2FFFF;
	_ =	strace $0x9FFFFFFF  }
0xc4: {  	(tm) =	ssettm $0x7FFFFFFF  }
0xc5: {  	_ =	shalt  }
tec
execute0_lowered:
.L_overlay_start_1:
0x0: {  	(tag) =	ssettag $0x1  }
0x1: {  	s0 =	rddreg [dreg:$0x0]  }
0x2: {  	s5 =	rddreg [dreg:$0x1]  }
0x3: {  	s4 =	rddreg [dreg:$0x2]  }
0x4: {  	s3 =	srdreg.scid;
	s2 =	simm.s32 $0x0;
	s1 =	stileid.u32  }
0x5: {  	s10 =	simm.s32 $0x200;
	s11 =	simm.s32 $0x80;
	s12 =	simm.s32 $0x400  }
0x6: {  	s13 =	simm.s32 $0x800;
	s14 =	simm.s32 $0x480;
	s15 =	simm.s32 $0x1800  }
0x7: {  	s16 =	simm.s32 $0x500;
	s17 =	simm.s32 $0x2800;
	s18 =	simm.s32 $0x580  }
0x8: {  	s19 =	simm.s32 $0x3800;
	s20 =	simm.s32 $0x600;
	s21 =	simm.s32 $0x4800  }
0x9: {  	s22 =	simm.s32 $0x680;
	s23 =	simm.s32 $0x5800;
	s24 =	simm.s32 $0x700  }
0xa: {  	s25 =	simm.s32 $0x6800;
	s28 =	simm.s32 $0x7800;
	s29 =	simm.s32 $0x1  }
0xb: {  	s30 =	simm.s32 $0x0;
	s6 =	sand.u32 $0x1, s3;
	[smem:$0x7FF] =	sst s2  }
0xc: {  	s26 =	sshll.u32 s1, $0xA;
	s3 =	sadd.s32 $0x1200, s4;
	s7 =	sshll.u32 s6, $0x9  }
0xd: {  	_ =	strace $0x80000047;
	s6 =	ssub.s32 $0x2, s6;
	s7 =	sor.u32 s7, s26  }
0xe: {  	s31 =	sshrl.u32 s6, $0x1;
	s26 =	simm.s32 $0x780;
	s8 =	sshll.u32 s7, $0x2  }
0xf: {  	s7 =	sshrl.u32 s7, $0x3;
	s9 =	ssub.s32 s6, s31;
	s8 =	sadd.s32 s8, s4  }
0x10: {  	s4 =	sadd.s32 s0, s7;
	s5 =	sadd.s32 s5, s7;
	s6 =	sadd.s32 $0x3E2200, s8  }
0x11: {  	s7 =	sadd.s32 $0x3D2200, s8;
	s8 =	smax.u32 s9, $0x1;
	s9 =	simm.s32 $0x2  }
.LBB2_1:
0x12: {  	[tilespmem:s2], [sflag:$0x2] =	stream.linear.gather [hbm4b:s4+s2], $0x200, $0x38;
	[tilespmem:$0x8800] =	vst v63  }
0x13: {  	_ =	swait.ge [sflag:s9], $0x200  }
0x14: {  	[sflag:s9] =	ssyncset.done $0x0  }
0x15: {  	[sflag:s9] =	ssyncadd.s32 $0xFFFFFE00  }
0x16: {  	[tilespmem:s10], [sflag:$0x2] =	stream.linear.gather [hbm4b:s5+s2], $0x200, $0x38;
	[tilespmem:$0x8800] =	vst v63  }
0x17: {  	_ =	swait.ge [sflag:s9], $0x200  }
0x18: {  	[sflag:s9] =	ssyncset.done $0x0  }
0x19: {  	s31 =	simm.s32 $0x0;
	[sflag:s9] =	ssyncadd.s32 $0xFFFFFE00  }
0x1a: {  	v0 =	vld [tilespmem:s31+$0x0];
	_ =	sdelay $0x2  }
0x1b: {  	s0 =	simm.s32 $0x40  }
.LBB2_2:
0x1c: {  	p0 =	sne.s32 s0, $0x7C0  }
.Ltmp0:
0x1d: {  	s1 =	sshra.s32 s0, $0x2;
	s0 =	sadd.s32 $0x40, s0;
	v1 =	vshll.u32 v0, $0x2;
	(pc) =	sbr.rel @p0 .LBB2_2-.Ltmp0, $4  }
0x1e: {  	v2 =	vand.u32 $0xFFFFFE00, v0;
	v3 =	vshrl.u32 v0, $0x7;
	v1 =	vand.u32 $0x1FC, v1;
	v0 =	vld [tilespmem:s1+$0x0]  }
0x1f: {  	v1 =	vor.u32 v2, v1;
	v2 =	vand.u32 $0x3, v3  }
0x20: {  	v1 =	vor.u32 v2, v1  }
0x21: {  	[tilespmem:s31+$0x400] =	vst v1;
	s31 =	smov.u32 s1  }
0x22: {  	_ = 	snop  }
0x23: {  	v1 =	vshll.u32 v0, $0x2  }
0x24: {  	v2 =	vand.u32 $0xFFFFFE00, v0;
	v0 =	vshrl.u32 v0, $0x7;
	v1 =	vand.u32 $0x1FC, v1  }
0x25: {  	v0 =	vand.u32 $0x3, v0;
	v1 =	vor.u32 v2, v1  }
0x26: {  	v0 =	vor.u32 v0, v1  }
0x27: {  	[tilespmem:s31+$0x400] =	vst v0  }
0x28: {  	[tilespmem:s13], [sflag:$0x1] =	stream.indirect.gather [hbm4b:s3+s11], $0x20, s12, s11, $0xb8;
	[tilespmem:$0x8800] =	vst v63  }
0x29: {  	_ = 	snop  }
0x2a: {  	[tilespmem:s15], [sflag:$0x1] =	stream.indirect.gather [hbm4b:s3+s11], $0x20, s14, s11, $0xb8;
	[tilespmem:$0x8800] =	vst v63  }
0x2b: {  	_ = 	snop  }
0x2c: {  	[tilespmem:s17], [sflag:$0x1] =	stream.indirect.gather [hbm4b:s3+s11], $0x20, s16, s11, $0xb8;
	[tilespmem:$0x8800] =	vst v63  }
0x2d: {  	s31 =	simm.s32 $0x0  }
0x2e: {  	[tilespmem:s19], [sflag:$0x1] =	stream.indirect.gather [hbm4b:s3+s11], $0x20, s18, s11, $0xb8;
	[tilespmem:$0x8800] =	vst v63  }
0x2f: {  	v0 =	vld [tilespmem:s31+$0x200];
	_ =	sdelay $0x2  }
0x30: {  	s0 =	simm.s32 $0x40  }
.LBB2_4:
0x31: {  	p0 =	sne.s32 s0, $0x7C0  }
.Ltmp1:
0x32: {  	s1 =	sshra.s32 s0, $0x2;
	s0 =	sadd.s32 $0x40, s0;
	v1 =	vshll.u32 v0, $0x2;
	(pc) =	sbr.rel @p0 .LBB2_4-.Ltmp1, $4  }
0x33: {  	v2 =	vand.u32 $0xFFFFFE00, v0;
	v3 =	vshrl.u32 v0, $0x7;
	v1 =	vand.u32 $0x1FC, v1;
	v0 =	vld [tilespmem:s1+$0x200]  }
0x34: {  	v1 =	vor.u32 v2, v1;
	v2 =	vand.u32 $0x3, v3  }
0x35: {  	v1 =	vor.u32 v2, v1  }
0x36: {  	[tilespmem:s31+$0x600] =	vst v1;
	s31 =	smov.u32 s1  }
0x37: {  	_ = 	snop  }
0x38: {  	v1 =	vshll.u32 v0, $0x2  }
0x39: {  	v2 =	vand.u32 $0xFFFFFE00, v0;
	v63 =	vshrl.u32 v0, $0x7;
	v1 =	vand.u32 $0x1FC, v1  }
0x3a: {  	v0 =	vand.u32 $0x3, v63;
	v1 =	vor.u32 v2, v1  }
0x3b: {  	v0 =	vor.u32 v0, v1  }
0x3c: {  	[tilespmem:s31+$0x600] =	vst v0  }
0x3d: {  	[tilespmem:s21], [sflag:$0x1] =	stream.indirect.gather [hbm4b:s3+s11], $0x20, s20, s11, $0xb8;
	[tilespmem:$0x8800] =	vst v63  }
0x3e: {  	_ = 	snop  }
0x3f: {  	[tilespmem:s23], [sflag:$0x1] =	stream.indirect.gather [hbm4b:s3+s11], $0x20, s22, s11, $0xb8;
	[tilespmem:$0x8800] =	vst v63  }
0x40: {  	_ = 	snop  }
0x41: {  	[tilespmem:s25], [sflag:$0x1] =	stream.indirect.gather [hbm4b:s3+s11], $0x20, s24, s11, $0xb8;
	[tilespmem:$0x8800] =	vst v63  }
0x42: {  	_ = 	snop  }
0x43: {  	[tilespmem:s28], [sflag:$0x1] =	stream.indirect.gather [hbm4b:s3+s11], $0x20, s26, s11, $0xb8;
	[tilespmem:$0x8800] =	vst v63  }
0x44: {  	_ =	swait.ge [sflag:s29], $0x1000  }
0x45: {  	[sflag:s29] =	ssyncset.done $0x0  }
0x46: {  	[sflag:s29] =	ssyncadd.s32 $0xFFFFF000  }
0x47: {  	_ =	swait.ge [sflag:s29], $0x1000  }
0x48: {  	[sflag:s29] =	ssyncset.done $0x0  }
0x49: {  	[sflag:s29] =	ssyncadd.s32 $0xFFFFF000  }
0x4a: {  	_ =	swait.ge [sflag:s29], $0x1000  }
0x4b: {  	[sflag:s29] =	ssyncset.done $0x0  }
0x4c: {  	[sflag:s29] =	ssyncadd.s32 $0xFFFFF000  }
0x4d: {  	_ =	swait.ge [sflag:s29], $0x1000  }
0x4e: {  	[sflag:s29] =	ssyncset.done $0x0  }
0x4f: {  	[sflag:s29] =	ssyncadd.s32 $0xFFFFF000  }
0x50: {  	_ =	swait.ge [sflag:s29], $0x1000  }
0x51: {  	[sflag:s29] =	ssyncset.done $0x0  }
0x52: {  	[sflag:s29] =	ssyncadd.s32 $0xFFFFF000  }
0x53: {  	_ =	swait.ge [sflag:s29], $0x1000  }
0x54: {  	[sflag:s29] =	ssyncset.done $0x0  }
0x55: {  	[sflag:s29] =	ssyncadd.s32 $0xFFFFF000  }
0x56: {  	_ =	swait.ge [sflag:s29], $0x1000  }
0x57: {  	[sflag:s29] =	ssyncset.done $0x0  }
0x58: {  	[sflag:s29] =	ssyncadd.s32 $0xFFFFF000  }
0x59: {  	_ =	swait.ge [sflag:s29], $0x1000  }
0x5a: {  	[sflag:s29] =	ssyncset.done $0x0  }
0x5b: {  	[sflag:s29] =	ssyncadd.s32 $0xFFFFF000  }
0x5c: {  	[hbm4b:s6+s2] =	stream.linear.scatter [tilespmem:s13], [sflag:$0x2], $0x4000, $0x38;
	[tilespmem:$0x8800] =	vst v63  }
0x5d: {  	s30 =	sadd.s32 $0x1, s30;
	_ =	swait.ge [sflag:s9], $0x4000  }
0x5e: {  	p0 =	sne.s32 s30, s8;
	[sflag:s9] =	ssyncset.done $0x0  }
.Ltmp2:
0x5f: {  	[sflag:s9] =	ssyncadd.s32 $0xFFFFC000;
	(pc) =	sbr.rel @p0 .LBB2_1-.Ltmp2, $4  }
0x60: {  	[hbm4b:s7+s2] =	stream.linear.scatter [tilespmem:s21], [sflag:$0x2], $0x4000, $0x38;
	[tilespmem:$0x8800] =	vst v63  }
0x61: {  	_ =	swait.ge [sflag:s9], $0x4000  }
0x62: {  	[sflag:s9] =	ssyncset.done $0x0  }
0x63: {  	[sflag:s9] =	ssyncadd.s32 $0xFFFFC000  }
0x64: {  	_ =	sfence.sel $0x180000  }
0x65: {  	[bflag:$0x0] =	sbarrier.arrive $0xFFFF  }
0x66: {  	_ =	strace $0x90000047  }
0x67: {  	s0 =	stileid.u32;
	[bflag:$0x2] =	sbarrier.arrive $0xFFFF  }
0x68: {  	p0 =	sne.s32 s0, $0x0;
	s0 =	rddreg [dreg:$0x3]  }
0x69: {  	s0 =	sadd.s32 @!p0 $0x100000, s0  }
0x6a: {  	[sflag:s0] =	ssyncadd.tile.s32 @!p0 $0x1;
	_ =	shalt  }
.Lfunc_end2:
_tile_overlayer_lowered:
.L_overlay_start_2:
0x6b: {  	(tag) =	ssettag $0x2  }
0x6c: {  	s0 =	rddreg [dreg:$0x0];
	s2 =	stileid.u32  }
0x6d: {  	s1 =	rddreg [dreg:$0x1];
	p0 =	sne.s32 s2, $0x0  }
0x6e: {  	s3 =	rddreg [dreg:$0x2];
	[bflag:$0x3] =	sbarrier.arrive $0xFFFF;
	s2 =	simm.s32 @!p0 $0x1C02  }
0x6f: {  	[timem:s3], [sflag:s2] =	dma.local @!p0 [hbm:s0], s1  }
0x70: {  	s0 =	simm.s32 @!p0 $0x2  }
0x71: {  	_ =	swait.ge @!p0 [sflag:s0], s1  }
0x72: {  	s1 =	ssub.s32 @!p0 $0x0, s1;
	[sflag:s0] =	ssyncset.done @!p0 $0x0  }
0x73: {  	[sflag:s0] =	ssyncadd.s32 @!p0 s1  }
0x74: {  	[bflag:$0x3] =	sbarrier.arrive $0xFFFF  }
0x75: {  	_ =	shalt  }

</sc_bundles>
